<compile_context>
chip_gen: v7x
topology: tpu7x:2x2x1
jax: 0.10.2.dev20260603
libtpu: 0.0.44.dev20260713+nightly
codegen_flags: <defaults>
</compile_context>

<pallas_src>
import jax
import jax.numpy as jnp
from jax import lax
from jax.experimental import pallas as pl
from jax.experimental.pallas import tpu as pltpu
from jax.experimental.pallas import tpu_sc as plsc

N_EMB = 128

_NC = 2
_NS = 16
_NW = _NC * _NS

_NBUF = 4

_SPLITS = ((0, 128), (128, 72))


def _gather_body(idx_hbm, table_hbm, out_hbm, idx_v, rows_v, gsems, wsems):
    rows_per_w, L = idx_v.shape
    per_w = rows_per_w * L
    wid = lax.axis_index("s") * _NC + lax.axis_index("c")
    base = wid * per_w
    pltpu.sync_copy(idx_hbm.at[pl.ds(wid * rows_per_w, rows_per_w)], idx_v)

    def gather(r, s, b):
        off, ln = _SPLITS[s]
        return pltpu.make_async_copy(
            table_hbm.at[idx_v.at[r, pl.ds(off, ln)]],
            rows_v.at[b, pl.ds(0, ln)],
            gsems[b])

    def write(r, s, b):
        off, ln = _SPLITS[s]
        return pltpu.make_async_copy(
            rows_v.at[b, pl.ds(0, ln)],
            out_hbm.at[pl.ds(base + r * L + off, ln)],
            wsems[b])

    n_chunks = rows_per_w * 2

    for b in range(_NBUF):
        gather(b // 2, b % 2, b).start()

    @pl.loop(0, n_chunks // _NBUF)
    def _block(jj):
        j = jj * _NBUF
        for b in range(_NBUF):
            c = j + b
            r, s = c // 2, b % 2
            gather(r, s, b).wait()
            write(r, s, b).start()

            @pl.when(c + _NBUF < n_chunks)
            def _():
                rn = (c + _NBUF) // 2
                write(r, s, b).wait()
                gather(rn, b % 2, b).start()

    for b in range(_NBUF):
        c = n_chunks - _NBUF + b
        write(c // 2, b % 2, b).wait()


def kernel(input, emb_table):
    B, L = input.shape
    total = B * L
    assert B % _NW == 0 and L == 200

    mesh = plsc.VectorSubcoreMesh(core_axis_name="c", subcore_axis_name="s")
    out = pl.kernel(
        _gather_body,
        out_type=jax.ShapeDtypeStruct((total, N_EMB), jnp.float32),
        mesh=mesh,
        compiler_params=pltpu.CompilerParams(use_tc_tiling_on_sc=True),
        scratch_types=[
            pltpu.VMEM((B // _NW, L), jnp.int32),
            pltpu.VMEM((_NBUF, 128, N_EMB), jnp.float32),
            [pltpu.SemaphoreType.DMA] * _NBUF,
            [pltpu.SemaphoreType.DMA] * _NBUF,
        ],
    )(input, emb_table)
    return out.reshape(B, L, N_EMB)

# --- scband reference (transcript-rebuilt; emitter-appended) ---
"""Pipeline reference for scband-rnndecoder-893353198041 (READ-ONLY COPY).

The authoritative reference and input builder live on the scoring server;
editing this copy changes nothing except your own understanding.
"""

import jax, jax.numpy as jnp
import numpy as np

VOCAB = 100000
N_EMB = 128
PAD_IX = 0

def setup_inputs(seed: int = 0) -> dict:
    key = jax.random.key(seed)
    k1, k2 = jax.random.split(key)
    input_tokens = jax.random.randint(k1, (1024, 200), 0, VOCAB, dtype=jnp.int64 if jax.config.jax_enable_x64 else jnp.int32).astype(jnp.int32)
    emb_table = jax.random.normal(k2, (VOCAB, N_EMB), dtype=jnp.float32)
    # padding_idx row is zeroed, matching nn.Embedding(padding_idx=PAD_IX)
    emb_table = emb_table.at[PAD_IX].set(0.0)
    return {"input": input_tokens, "emb_table": emb_table}

def reference(input, emb_table):
    # RNNDecoder concrete forward path: embedding lookup followed by dropout.
    # Dropout is identity in eval mode.
    embedded = jnp.take(emb_table, input, axis=0)  # (B, L, n_emb)
    return embedded

if __name__ == "__main__":
    import jax
    _d = setup_inputs()
    print(jax.jit(kernel)(*tuple(_d.values())))

</pallas_src>

<mosaic_0001>
#map = affine_map<(d0, d1) -> (0, 0)>
module attributes {stable_mosaic.version = 14 : i64} {
  func.func @_gather_body(%arg0: i32, %arg1: i32, %arg2: memref<1024x200xi32, #tpu.memory_space<hbm>>, %arg3: memref<100000x128xf32, #tpu.memory_space<hbm>>, %arg4: memref<204800x128xf32, #tpu.memory_space<hbm>>, %arg5: memref<32x200xi32, #tpu.memory_space<vmem>>, %arg6: memref<4x128x128xf32, #tpu.memory_space<vmem>>, %arg7: memref<!tpu.dma_semaphore, #tpu.memory_space<semaphore_mem>>, %arg8: memref<!tpu.dma_semaphore, #tpu.memory_space<semaphore_mem>>, %arg9: memref<!tpu.dma_semaphore, #tpu.memory_space<semaphore_mem>>, %arg10: memref<!tpu.dma_semaphore, #tpu.memory_space<semaphore_mem>>, %arg11: memref<!tpu.dma_semaphore, #tpu.memory_space<semaphore_mem>>, %arg12: memref<!tpu.dma_semaphore, #tpu.memory_space<semaphore_mem>>, %arg13: memref<!tpu.dma_semaphore, #tpu.memory_space<semaphore_mem>>, %arg14: memref<!tpu.dma_semaphore, #tpu.memory_space<semaphore_mem>>) attributes {dimension_semantics = [#tpu.dimension_semantics<core_parallel>, #tpu.dimension_semantics<subcore_parallel>], iteration_bounds = array<i64: 2, 16>, scalar_prefetch = 0 : i64, scratch_operands = 10 : i64, tpu.core_type = #tpu.core_type<sc_vector_subcore>, window_params = [{transform_indices = #map}, {transform_indices = #map}, {transform_indices = #map}]} {
    %mul3A = arith.constant 2 : i32
    %mul3A_0 = arith.muli %arg1, %mul3A : i32
    %add3A = arith.addi %mul3A_0, %arg0 : i32
    %mul3A_1 = arith.constant 6400 : i32
    %mul3A_2 = arith.muli %add3A, %mul3A_1 : i32
    %mul3A_3 = arith.constant 32 : i32
    %mul3A_4 = arith.muli %add3A, %mul3A_3 : i32
    "tpu.region"() ({
      %run_scoped3A = tpu.sem_alloc : memref<!tpu.dma_semaphore, #tpu.memory_space<semaphore_mem>>
      %dma_start3A_123 = arith.constant 0 : i32
      %dma_start3A_124 = tpu.memref_slice %arg2[%mul3A_4, %dma_start3A_123] : memref<1024x200xi32, #tpu.memory_space<hbm>> -> memref<32x200xi32, #tpu.memory_space<hbm>>
      %dma_start3A_125 = arith.constant 0 : i32
      %dma_start3A_126 = tpu.memref_slice %arg2[%mul3A_4, %dma_start3A_125] : memref<1024x200xi32, #tpu.memory_space<hbm>> -> memref<32x200xi32, #tpu.memory_space<hbm>>
      tpu.enqueue_dma source(%dma_start3A_126 : memref<32x200xi32, #tpu.memory_space<hbm>>) target(%arg5 : memref<32x200xi32, #tpu.memory_space<vmem>>) target_semaphore(%run_scoped3A : memref<!tpu.dma_semaphore, #tpu.memory_space<semaphore_mem>>)
      %dma_wait3A_127 = arith.constant 0 : i32
      %dma_wait3A_128 = tpu.memref_slice %arg2[%mul3A_4, %dma_wait3A_127] : memref<1024x200xi32, #tpu.memory_space<hbm>> -> memref<32x200xi32, #tpu.memory_space<hbm>>
      %dma_wait3A_129 = arith.constant 0 : i32
      %dma_wait3A_130 = tpu.memref_slice %arg2[%mul3A_4, %dma_wait3A_129] : memref<1024x200xi32, #tpu.memory_space<hbm>> -> memref<32x200xi32, #tpu.memory_space<hbm>>
      tpu.wait_dma2 semaphore(%run_scoped3A : memref<!tpu.dma_semaphore, #tpu.memory_space<semaphore_mem>>) src(%dma_wait3A_130 : memref<32x200xi32, #tpu.memory_space<hbm>>) dst(%arg5 : memref<32x200xi32, #tpu.memory_space<vmem>>)
      tpu.yield
    }) : () -> ()
    %dma_start3A = arith.constant 0 : i32
    %dma_start3A_5 = arith.constant 0 : i32
    %dma_start3A_6 = arith.constant 0 : i32
    %dma_start3A_7 = arith.constant 0 : i32
    %dma_start3A_8 = tpu.memref_slice %arg6[%dma_start3A_5, %dma_start3A_6, %dma_start3A_7] : memref<4x128x128xf32, #tpu.memory_space<vmem>> -> memref<1x128x128xf32, #tpu.memory_space<vmem>>
    %dma_start3A_9 = tpu.memref_squeeze %dma_start3A_8 : memref<1x128x128xf32, #tpu.memory_space<vmem>> -> memref<128x128xf32, #tpu.memory_space<vmem>>
    %dma_start3A_10 = arith.constant 0 : i32
    %dma_start3A_11 = tpu.memref_slice %arg5[%dma_start3A, %dma_start3A_10] : memref<32x200xi32, #tpu.memory_space<vmem>> -> memref<1x128xi32, #tpu.memory_space<vmem>>
    %dma_start3A_12 = tpu.memref_squeeze %dma_start3A_11 : memref<1x128xi32, #tpu.memory_space<vmem>> -> memref<128xi32, #tpu.memory_space<vmem>>
    %dma_start3A_13 = arith.constant 0 : i32
    %dma_start3A_14 = arith.constant 0 : i32
    %dma_start3A_15 = tpu.memref_slice %arg3[%dma_start3A_13, %dma_start3A_14] : memref<100000x128xf32, #tpu.memory_space<hbm>> -> memref<100000x128xf32, #tpu.memory_space<hbm>>
    tpu.enqueue_indirect_dma source(%dma_start3A_15 : memref<100000x128xf32, #tpu.memory_space<hbm>>) target(%dma_start3A_9 : memref<128x128xf32, #tpu.memory_space<vmem>>) offsets(%dma_start3A_12 : memref<128xi32, #tpu.memory_space<vmem>>) semaphore(%arg7 : memref<!tpu.dma_semaphore, #tpu.memory_space<semaphore_mem>>)
    %dma_start3A_16 = arith.constant 0 : i32
    %dma_start3A_17 = arith.constant 1 : i32
    %dma_start3A_18 = arith.constant 0 : i32
    %dma_start3A_19 = arith.constant 0 : i32
    %dma_start3A_20 = tpu.memref_slice %arg6[%dma_start3A_17, %dma_start3A_18, %dma_start3A_19] : memref<4x128x128xf32, #tpu.memory_space<vmem>> -> memref<1x72x128xf32, #tpu.memory_space<vmem>>
    %dma_start3A_21 = tpu.memref_squeeze %dma_start3A_20 : memref<1x72x128xf32, #tpu.memory_space<vmem>> -> memref<72x128xf32, #tpu.memory_space<vmem>>
    %dma_start3A_22 = arith.constant 128 : i32
    %dma_start3A_23 = tpu.memref_slice %arg5[%dma_start3A_16, %dma_start3A_22] : memref<32x200xi32, #tpu.memory_space<vmem>> -> memref<1x72xi32, #tpu.memory_space<vmem>>
    %dma_start3A_24 = tpu.memref_squeeze %dma_start3A_23 : memref<1x72xi32, #tpu.memory_space<vmem>> -> memref<72xi32, #tpu.memory_space<vmem>>
    %dma_start3A_25 = arith.constant 0 : i32
    %dma_start3A_26 = arith.constant 0 : i32
    %dma_start3A_27 = tpu.memref_slice %arg3[%dma_start3A_25, %dma_start3A_26] : memref<100000x128xf32, #tpu.memory_space<hbm>> -> memref<100000x128xf32, #tpu.memory_space<hbm>>
    tpu.enqueue_indirect_dma source(%dma_start3A_27 : memref<100000x128xf32, #tpu.memory_space<hbm>>) target(%dma_start3A_21 : memref<72x128xf32, #tpu.memory_space<vmem>>) offsets(%dma_start3A_24 : memref<72xi32, #tpu.memory_space<vmem>>) semaphore(%arg8 : memref<!tpu.dma_semaphore, #tpu.memory_space<semaphore_mem>>)
    %dma_start3A_28 = arith.constant 1 : i32
    %dma_start3A_29 = arith.constant 2 : i32
    %dma_start3A_30 = arith.constant 0 : i32
    %dma_start3A_31 = arith.constant 0 : i32
    %dma_start3A_32 = tpu.memref_slice %arg6[%dma_start3A_29, %dma_start3A_30, %dma_start3A_31] : memref<4x128x128xf32, #tpu.memory_space<vmem>> -> memref<1x128x128xf32, #tpu.memory_space<vmem>>
    %dma_start3A_33 = tpu.memref_squeeze %dma_start3A_32 : memref<1x128x128xf32, #tpu.memory_space<vmem>> -> memref<128x128xf32, #tpu.memory_space<vmem>>
    %dma_start3A_34 = arith.constant 0 : i32
    %dma_start3A_35 = tpu.memref_slice %arg5[%dma_start3A_28, %dma_start3A_34] : memref<32x200xi32, #tpu.memory_space<vmem>> -> memref<1x128xi32, #tpu.memory_space<vmem>>
    %dma_start3A_36 = tpu.memref_squeeze %dma_start3A_35 : memref<1x128xi32, #tpu.memory_space<vmem>> -> memref<128xi32, #tpu.memory_space<vmem>>
    %dma_start3A_37 = arith.constant 0 : i32
    %dma_start3A_38 = arith.constant 0 : i32
    %dma_start3A_39 = tpu.memref_slice %arg3[%dma_start3A_37, %dma_start3A_38] : memref<100000x128xf32, #tpu.memory_space<hbm>> -> memref<100000x128xf32, #tpu.memory_space<hbm>>
    tpu.enqueue_indirect_dma source(%dma_start3A_39 : memref<100000x128xf32, #tpu.memory_space<hbm>>) target(%dma_start3A_33 : memref<128x128xf32, #tpu.memory_space<vmem>>) offsets(%dma_start3A_36 : memref<128xi32, #tpu.memory_space<vmem>>) semaphore(%arg9 : memref<!tpu.dma_semaphore, #tpu.memory_space<semaphore_mem>>)
    %dma_start3A_40 = arith.constant 1 : i32
    %dma_start3A_41 = arith.constant 3 : i32
    %dma_start3A_42 = arith.constant 0 : i32
    %dma_start3A_43 = arith.constant 0 : i32
    %dma_start3A_44 = tpu.memref_slice %arg6[%dma_start3A_41, %dma_start3A_42, %dma_start3A_43] : memref<4x128x128xf32, #tpu.memory_space<vmem>> -> memref<1x72x128xf32, #tpu.memory_space<vmem>>
    %dma_start3A_45 = tpu.memref_squeeze %dma_start3A_44 : memref<1x72x128xf32, #tpu.memory_space<vmem>> -> memref<72x128xf32, #tpu.memory_space<vmem>>
    %dma_start3A_46 = arith.constant 128 : i32
    %dma_start3A_47 = tpu.memref_slice %arg5[%dma_start3A_40, %dma_start3A_46] : memref<32x200xi32, #tpu.memory_space<vmem>> -> memref<1x72xi32, #tpu.memory_space<vmem>>
    %dma_start3A_48 = tpu.memref_squeeze %dma_start3A_47 : memref<1x72xi32, #tpu.memory_space<vmem>> -> memref<72xi32, #tpu.memory_space<vmem>>
    %dma_start3A_49 = arith.constant 0 : i32
    %dma_start3A_50 = arith.constant 0 : i32
    %dma_start3A_51 = tpu.memref_slice %arg3[%dma_start3A_49, %dma_start3A_50] : memref<100000x128xf32, #tpu.memory_space<hbm>> -> memref<100000x128xf32, #tpu.memory_space<hbm>>
    tpu.enqueue_indirect_dma source(%dma_start3A_51 : memref<100000x128xf32, #tpu.memory_space<hbm>>) target(%dma_start3A_45 : memref<72x128xf32, #tpu.memory_space<vmem>>) offsets(%dma_start3A_48 : memref<72xi32, #tpu.memory_space<vmem>>) semaphore(%arg10 : memref<!tpu.dma_semaphore, #tpu.memory_space<semaphore_mem>>)
    %scan3A = arith.constant 0 : i32
    %scan3A_52 = arith.constant 16 : i32
    %scan3A_53 = arith.addi %scan3A, %scan3A_52 : i32
    %scan3A_54 = arith.constant 1 : i32
    scf.for %scan3A_123 = %scan3A to %scan3A_53 step %scan3A_54  : i32 {
      %mul3A_124 = arith.constant 1 : i32
      %mul3A_125 = arith.muli %scan3A_123, %mul3A_124 : i32
      %add3A_126 = arith.constant 0 : i32
      %add3A_127 = arith.addi %add3A_126, %mul3A_125 : i32
      %mul3A_128 = arith.constant 4 : i32
      %mul3A_129 = arith.muli %add3A_127, %mul3A_128 : i32
      %add3A_130 = arith.constant 0 : i32
      %add3A_131 = arith.addi %mul3A_129, %add3A_130 : i32
      %jit3A = arith.constant 2 : i32
      %div3A = arith.divsi %add3A_131, %jit3A : i32
      %sign3A = arith.constant 0 : i32
      %sign3A_132 = arith.cmpi sgt, %add3A_131, %sign3A : i32
      %sign3A_133 = arith.extui %sign3A_132 : i1 to i32
      %sign3A_134 = arith.constant 0 : i32
      %sign3A_135 = arith.cmpi slt, %add3A_131, %sign3A_134 : i32
      %sign3A_136 = arith.extui %sign3A_135 : i1 to i32
      %sign3A_137 = arith.subi %sign3A_133, %sign3A_136 : i32
      %sign3A_138 = arith.constant 0 : i32
      %sign3A_139 = arith.cmpi sgt, %jit3A, %sign3A_138 : i32
      %sign3A_140 = arith.extui %sign3A_139 : i1 to i32
      %sign3A_141 = arith.constant 0 : i32
      %sign3A_142 = arith.cmpi slt, %jit3A, %sign3A_141 : i32
      %sign3A_143 = arith.extui %sign3A_142 : i1 to i32
      %sign3A_144 = arith.subi %sign3A_140, %sign3A_143 : i32
      %ne3A = arith.cmpi ne, %sign3A_137, %sign3A_144 : i32
      %rem3A = arith.remsi %add3A_131, %jit3A : i32
      %ne3A_145 = arith.constant 0 : i32
      %ne3A_146 = arith.cmpi ne, %rem3A, %ne3A_145 : i32
      %and3A = arith.andi %ne3A, %ne3A_146 : i1
      %sub3A = arith.constant 1 : i32
      %sub3A_147 = arith.subi %div3A, %sub3A : i32
      %select_n3A = arith.select %and3A, %sub3A_147, %div3A : i32
      %dma_wait3A_148 = arith.constant 0 : i32
      %dma_wait3A_149 = arith.constant 0 : i32
      %dma_wait3A_150 = arith.constant 0 : i32
      %dma_wait3A_151 = tpu.memref_slice %arg6[%dma_wait3A_148, %dma_wait3A_149, %dma_wait3A_150] : memref<4x128x128xf32, #tpu.memory_space<vmem>> -> memref<1x128x128xf32, #tpu.memory_space<vmem>>
      %dma_wait3A_152 = tpu.memref_squeeze %dma_wait3A_151 : memref<1x128x128xf32, #tpu.memory_space<vmem>> -> memref<128x128xf32, #tpu.memory_space<vmem>>
      %dma_wait3A_153 = arith.constant 0 : i32
      %dma_wait3A_154 = tpu.memref_slice %arg5[%select_n3A, %dma_wait3A_153] : memref<32x200xi32, #tpu.memory_space<vmem>> -> memref<1x128xi32, #tpu.memory_space<vmem>>
      %dma_wait3A_155 = tpu.memref_squeeze %dma_wait3A_154 : memref<1x128xi32, #tpu.memory_space<vmem>> -> memref<128xi32, #tpu.memory_space<vmem>>
      %dma_wait3A_156 = arith.constant 0 : i32
      %dma_wait3A_157 = arith.constant 0 : i32
      %dma_wait3A_158 = tpu.memref_slice %arg3[%dma_wait3A_156, %dma_wait3A_157] : memref<100000x128xf32, #tpu.memory_space<hbm>> -> memref<100000x128xf32, #tpu.memory_space<hbm>>
      tpu.wait_indirect_dma semaphore(%arg7 : memref<!tpu.dma_semaphore, #tpu.memory_space<semaphore_mem>>) src(%dma_wait3A_158 : memref<100000x128xf32, #tpu.memory_space<hbm>>) dst(%dma_wait3A_152 : memref<128x128xf32, #tpu.memory_space<vmem>>)
      %mul3A_159 = arith.constant 200 : i32
      %mul3A_160 = arith.muli %select_n3A, %mul3A_159 : i32
      %add3A_161 = arith.addi %mul3A_2, %mul3A_160 : i32
      %add3A_162 = arith.constant 0 : i32
      %add3A_163 = arith.addi %add3A_161, %add3A_162 : i32
      %dma_start3A_164 = arith.constant 0 : i32
      %dma_start3A_165 = arith.constant 0 : i32
      %dma_start3A_166 = arith.constant 0 : i32
      %dma_start3A_167 = tpu.memref_slice %arg6[%dma_start3A_164, %dma_start3A_165, %dma_start3A_166] : memref<4x128x128xf32, #tpu.memory_space<vmem>> -> memref<1x128x128xf32, #tpu.memory_space<vmem>>
      %dma_start3A_168 = tpu.memref_squeeze %dma_start3A_167 : memref<1x128x128xf32, #tpu.memory_space<vmem>> -> memref<128x128xf32, #tpu.memory_space<vmem>>
      %dma_start3A_169 = arith.constant 0 : i32
      %dma_start3A_170 = tpu.memref_slice %arg4[%add3A_163, %dma_start3A_169] : memref<204800x128xf32, #tpu.memory_space<hbm>> -> memref<128x128xf32, #tpu.memory_space<hbm>>
      %dma_start3A_171 = arith.constant 0 : i32
      %dma_start3A_172 = tpu.memref_slice %arg4[%add3A_163, %dma_start3A_171] : memref<204800x128xf32, #tpu.memory_space<hbm>> -> memref<128x128xf32, #tpu.memory_space<hbm>>
      %dma_start3A_173 = arith.constant 0 : i32
      %dma_start3A_174 = arith.constant 0 : i32
      %dma_start3A_175 = tpu.memref_slice %arg6[%dma_start3A_164, %dma_start3A_173, %dma_start3A_174] : memref<4x128x128xf32, #tpu.memory_space<vmem>> -> memref<1x128x128xf32, #tpu.memory_space<vmem>>
      %dma_start3A_176 = tpu.memref_squeeze %dma_start3A_175 : memref<1x128x128xf32, #tpu.memory_space<vmem>> -> memref<128x128xf32, #tpu.memory_space<vmem>>
      tpu.enqueue_dma source(%dma_start3A_176 : memref<128x128xf32, #tpu.memory_space<vmem>>) target(%dma_start3A_172 : memref<128x128xf32, #tpu.memory_space<hbm>>) target_semaphore(%arg11 : memref<!tpu.dma_semaphore, #tpu.memory_space<semaphore_mem>>)
      %add3A_177 = arith.constant 4 : i32
      %add3A_178 = arith.addi %add3A_131, %add3A_177 : i32
      %lt3A = arith.constant 64 : i32
      %lt3A_179 = arith.cmpi slt, %add3A_178, %lt3A : i32
      %convert_element_type3A = arith.extui %lt3A_179 : i1 to i32
      %cond3A = arith.constant 0 : i32
      %cond3A_180 = arith.cmpi ne, %convert_element_type3A, %cond3A : i32
      scf.if %cond3A_180 {
        %add3A_367 = arith.constant 4 : i32
        %add3A_368 = arith.addi %add3A_131, %add3A_367 : i32
        %jit3A_369 = arith.constant 2 : i32
        %div3A_370 = arith.divsi %add3A_368, %jit3A_369 : i32
        %sign3A_371 = arith.constant 0 : i32
        %sign3A_372 = arith.cmpi sgt, %add3A_368, %sign3A_371 : i32
        %sign3A_373 = arith.extui %sign3A_372 : i1 to i32
        %sign3A_374 = arith.constant 0 : i32
        %sign3A_375 = arith.cmpi slt, %add3A_368, %sign3A_374 : i32
        %sign3A_376 = arith.extui %sign3A_375 : i1 to i32
        %sign3A_377 = arith.subi %sign3A_373, %sign3A_376 : i32
        %sign3A_378 = arith.constant 0 : i32
        %sign3A_379 = arith.cmpi sgt, %jit3A_369, %sign3A_378 : i32
        %sign3A_380 = arith.extui %sign3A_379 : i1 to i32
        %sign3A_381 = arith.constant 0 : i32
        %sign3A_382 = arith.cmpi slt, %jit3A_369, %sign3A_381 : i32
        %sign3A_383 = arith.extui %sign3A_382 : i1 to i32
        %sign3A_384 = arith.subi %sign3A_380, %sign3A_383 : i32
        %ne3A_385 = arith.cmpi ne, %sign3A_377, %sign3A_384 : i32
        %rem3A_386 = arith.remsi %add3A_368, %jit3A_369 : i32
        %ne3A_387 = arith.constant 0 : i32
        %ne3A_388 = arith.cmpi ne, %rem3A_386, %ne3A_387 : i32
        %and3A_389 = arith.andi %ne3A_385, %ne3A_388 : i1
        %sub3A_390 = arith.constant 1 : i32
        %sub3A_391 = arith.subi %div3A_370, %sub3A_390 : i32
        %select_n3A_392 = arith.select %and3A_389, %sub3A_391, %div3A_370 : i32
        %mul3A_393 = arith.constant 200 : i32
        %mul3A_394 = arith.muli %select_n3A, %mul3A_393 : i32
        %add3A_395 = arith.addi %mul3A_2, %mul3A_394 : i32
        %add3A_396 = arith.constant 0 : i32
        %add3A_397 = arith.addi %add3A_395, %add3A_396 : i32
        %dma_wait3A_398 = arith.constant 0 : i32
        %dma_wait3A_399 = arith.constant 0 : i32
        %dma_wait3A_400 = arith.constant 0 : i32
        %dma_wait3A_401 = tpu.memref_slice %arg6[%dma_wait3A_398, %dma_wait3A_399, %dma_wait3A_400] : memref<4x128x128xf32, #tpu.memory_space<vmem>> -> memref<1x128x128xf32, #tpu.memory_space<vmem>>
        %dma_wait3A_402 = tpu.memref_squeeze %dma_wait3A_401 : memref<1x128x128xf32, #tpu.memory_space<vmem>> -> memref<128x128xf32, #tpu.memory_space<vmem>>
        %dma_wait3A_403 = arith.constant 0 : i32
        %dma_wait3A_404 = tpu.memref_slice %arg4[%add3A_397, %dma_wait3A_403] : memref<204800x128xf32, #tpu.memory_space<hbm>> -> memref<128x128xf32, #tpu.memory_space<hbm>>
        %dma_wait3A_405 = arith.constant 0 : i32
        %dma_wait3A_406 = tpu.memref_slice %arg4[%add3A_397, %dma_wait3A_405] : memref<204800x128xf32, #tpu.memory_space<hbm>> -> memref<128x128xf32, #tpu.memory_space<hbm>>
        %dma_wait3A_407 = arith.constant 0 : i32
        %dma_wait3A_408 = arith.constant 0 : i32
        %dma_wait3A_409 = tpu.memref_slice %arg6[%dma_wait3A_398, %dma_wait3A_407, %dma_wait3A_408] : memref<4x128x128xf32, #tpu.memory_space<vmem>> -> memref<1x128x128xf32, #tpu.memory_space<vmem>>
        %dma_wait3A_410 = tpu.memref_squeeze %dma_wait3A_409 : memref<1x128x128xf32, #tpu.memory_space<vmem>> -> memref<128x128xf32, #tpu.memory_space<vmem>>
        tpu.wait_dma2 semaphore(%arg11 : memref<!tpu.dma_semaphore, #tpu.memory_space<semaphore_mem>>) src(%dma_wait3A_410 : memref<128x128xf32, #tpu.memory_space<vmem>>) dst(%dma_wait3A_406 : memref<128x128xf32, #tpu.memory_space<hbm>>)
        %dma_start3A_411 = arith.constant 0 : i32
        %dma_start3A_412 = arith.constant 0 : i32
        %dma_start3A_413 = arith.constant 0 : i32
        %dma_start3A_414 = tpu.memref_slice %arg6[%dma_start3A_411, %dma_start3A_412, %dma_start3A_413] : memref<4x128x128xf32, #tpu.memory_space<vmem>> -> memref<1x128x128xf32, #tpu.memory_space<vmem>>
        %dma_start3A_415 = tpu.memref_squeeze %dma_start3A_414 : memref<1x128x128xf32, #tpu.memory_space<vmem>> -> memref<128x128xf32, #tpu.memory_space<vmem>>
        %dma_start3A_416 = arith.constant 0 : i32
        %dma_start3A_417 = tpu.memref_slice %arg5[%select_n3A_392, %dma_start3A_416] : memref<32x200xi32, #tpu.memory_space<vmem>> -> memref<1x128xi32, #tpu.memory_space<vmem>>
        %dma_start3A_418 = tpu.memref_squeeze %dma_start3A_417 : memref<1x128xi32, #tpu.memory_space<vmem>> -> memref<128xi32, #tpu.memory_space<vmem>>
        %dma_start3A_419 = arith.constant 0 : i32
        %dma_start3A_420 = arith.constant 0 : i32
        %dma_start3A_421 = tpu.memref_slice %arg3[%dma_start3A_419, %dma_start3A_420] : memref<100000x128xf32, #tpu.memory_space<hbm>> -> memref<100000x128xf32, #tpu.memory_space<hbm>>
        tpu.enqueue_indirect_dma source(%dma_start3A_421 : memref<100000x128xf32, #tpu.memory_space<hbm>>) target(%dma_start3A_415 : memref<128x128xf32, #tpu.memory_space<vmem>>) offsets(%dma_start3A_418 : memref<128xi32, #tpu.memory_space<vmem>>) semaphore(%arg7 : memref<!tpu.dma_semaphore, #tpu.memory_space<semaphore_mem>>)
      } else {
      }
      %add3A_181 = arith.constant 1 : i32
      %add3A_182 = arith.addi %mul3A_129, %add3A_181 : i32
      %jit3A_183 = arith.constant 2 : i32
      %div3A_184 = arith.divsi %add3A_182, %jit3A_183 : i32
      %sign3A_185 = arith.constant 0 : i32
      %sign3A_186 = arith.cmpi sgt, %add3A_182, %sign3A_185 : i32
      %sign3A_187 = arith.extui %sign3A_186 : i1 to i32
      %sign3A_188 = arith.constant 0 : i32
      %sign3A_189 = arith.cmpi slt, %add3A_182, %sign3A_188 : i32
      %sign3A_190 = arith.extui %sign3A_189 : i1 to i32
      %sign3A_191 = arith.subi %sign3A_187, %sign3A_190 : i32
      %sign3A_192 = arith.constant 0 : i32
      %sign3A_193 = arith.cmpi sgt, %jit3A_183, %sign3A_192 : i32
      %sign3A_194 = arith.extui %sign3A_193 : i1 to i32
      %sign3A_195 = arith.constant 0 : i32
      %sign3A_196 = arith.cmpi slt, %jit3A_183, %sign3A_195 : i32
      %sign3A_197 = arith.extui %sign3A_196 : i1 to i32
      %sign3A_198 = arith.subi %sign3A_194, %sign3A_197 : i32
      %ne3A_199 = arith.cmpi ne, %sign3A_191, %sign3A_198 : i32
      %rem3A_200 = arith.remsi %add3A_182, %jit3A_183 : i32
      %ne3A_201 = arith.constant 0 : i32
      %ne3A_202 = arith.cmpi ne, %rem3A_200, %ne3A_201 : i32
      %and3A_203 = arith.andi %ne3A_199, %ne3A_202 : i1
      %sub3A_204 = arith.constant 1 : i32
      %sub3A_205 = arith.subi %div3A_184, %sub3A_204 : i32
      %select_n3A_206 = arith.select %and3A_203, %sub3A_205, %div3A_184 : i32
      %dma_wait3A_207 = arith.constant 1 : i32
      %dma_wait3A_208 = arith.constant 0 : i32
      %dma_wait3A_209 = arith.constant 0 : i32
      %dma_wait3A_210 = tpu.memref_slice %arg6[%dma_wait3A_207, %dma_wait3A_208, %dma_wait3A_209] : memref<4x128x128xf32, #tpu.memory_space<vmem>> -> memref<1x72x128xf32, #tpu.memory_space<vmem>>
      %dma_wait3A_211 = tpu.memref_squeeze %dma_wait3A_210 : memref<1x72x128xf32, #tpu.memory_space<vmem>> -> memref<72x128xf32, #tpu.memory_space<vmem>>
      %dma_wait3A_212 = arith.constant 128 : i32
      %dma_wait3A_213 = tpu.memref_slice %arg5[%select_n3A_206, %dma_wait3A_212] : memref<32x200xi32, #tpu.memory_space<vmem>> -> memref<1x72xi32, #tpu.memory_space<vmem>>
      %dma_wait3A_214 = tpu.memref_squeeze %dma_wait3A_213 : memref<1x72xi32, #tpu.memory_space<vmem>> -> memref<72xi32, #tpu.memory_space<vmem>>
      %dma_wait3A_215 = arith.constant 0 : i32
      %dma_wait3A_216 = arith.constant 0 : i32
      %dma_wait3A_217 = tpu.memref_slice %arg3[%dma_wait3A_215, %dma_wait3A_216] : memref<100000x128xf32, #tpu.memory_space<hbm>> -> memref<100000x128xf32, #tpu.memory_space<hbm>>
      tpu.wait_indirect_dma semaphore(%arg8 : memref<!tpu.dma_semaphore, #tpu.memory_space<semaphore_mem>>) src(%dma_wait3A_217 : memref<100000x128xf32, #tpu.memory_space<hbm>>) dst(%dma_wait3A_211 : memref<72x128xf32, #tpu.memory_space<vmem>>)
      %mul3A_218 = arith.constant 200 : i32
      %mul3A_219 = arith.muli %select_n3A_206, %mul3A_218 : i32
      %add3A_220 = arith.addi %mul3A_2, %mul3A_219 : i32
      %add3A_221 = arith.constant 128 : i32
      %add3A_222 = arith.addi %add3A_220, %add3A_221 : i32
      %dma_start3A_223 = arith.constant 1 : i32
      %dma_start3A_224 = arith.constant 0 : i32
      %dma_start3A_225 = arith.constant 0 : i32
      %dma_start3A_226 = tpu.memref_slice %arg6[%dma_start3A_223, %dma_start3A_224, %dma_start3A_225] : memref<4x128x128xf32, #tpu.memory_space<vmem>> -> memref<1x72x128xf32, #tpu.memory_space<vmem>>
      %dma_start3A_227 = tpu.memref_squeeze %dma_start3A_226 : memref<1x72x128xf32, #tpu.memory_space<vmem>> -> memref<72x128xf32, #tpu.memory_space<vmem>>
      %dma_start3A_228 = arith.constant 0 : i32
      %dma_start3A_229 = tpu.memref_slice %arg4[%add3A_222, %dma_start3A_228] : memref<204800x128xf32, #tpu.memory_space<hbm>> -> memref<72x128xf32, #tpu.memory_space<hbm>>
      %dma_start3A_230 = arith.constant 0 : i32
      %dma_start3A_231 = tpu.memref_slice %arg4[%add3A_222, %dma_start3A_230] : memref<204800x128xf32, #tpu.memory_space<hbm>> -> memref<72x128xf32, #tpu.memory_space<hbm>>
      %dma_start3A_232 = arith.constant 0 : i32
      %dma_start3A_233 = arith.constant 0 : i32
      %dma_start3A_234 = tpu.memref_slice %arg6[%dma_start3A_223, %dma_start3A_232, %dma_start3A_233] : memref<4x128x128xf32, #tpu.memory_space<vmem>> -> memref<1x72x128xf32, #tpu.memory_space<vmem>>
      %dma_start3A_235 = tpu.memref_squeeze %dma_start3A_234 : memref<1x72x128xf32, #tpu.memory_space<vmem>> -> memref<72x128xf32, #tpu.memory_space<vmem>>
      tpu.enqueue_dma source(%dma_start3A_235 : memref<72x128xf32, #tpu.memory_space<vmem>>) target(%dma_start3A_231 : memref<72x128xf32, #tpu.memory_space<hbm>>) target_semaphore(%arg12 : memref<!tpu.dma_semaphore, #tpu.memory_space<semaphore_mem>>)
      %add3A_236 = arith.constant 4 : i32
      %add3A_237 = arith.addi %add3A_182, %add3A_236 : i32
      %lt3A_238 = arith.constant 64 : i32
      %lt3A_239 = arith.cmpi slt, %add3A_237, %lt3A_238 : i32
      %convert_element_type3A_240 = arith.extui %lt3A_239 : i1 to i32
      %cond3A_241 = arith.constant 0 : i32
      %cond3A_242 = arith.cmpi ne, %convert_element_type3A_240, %cond3A_241 : i32
      scf.if %cond3A_242 {
        %add3A_367 = arith.constant 4 : i32
        %add3A_368 = arith.addi %add3A_182, %add3A_367 : i32
        %jit3A_369 = arith.constant 2 : i32
        %div3A_370 = arith.divsi %add3A_368, %jit3A_369 : i32
        %sign3A_371 = arith.constant 0 : i32
        %sign3A_372 = arith.cmpi sgt, %add3A_368, %sign3A_371 : i32
        %sign3A_373 = arith.extui %sign3A_372 : i1 to i32
        %sign3A_374 = arith.constant 0 : i32
        %sign3A_375 = arith.cmpi slt, %add3A_368, %sign3A_374 : i32
        %sign3A_376 = arith.extui %sign3A_375 : i1 to i32
        %sign3A_377 = arith.subi %sign3A_373, %sign3A_376 : i32
        %sign3A_378 = arith.constant 0 : i32
        %sign3A_379 = arith.cmpi sgt, %jit3A_369, %sign3A_378 : i32
        %sign3A_380 = arith.extui %sign3A_379 : i1 to i32
        %sign3A_381 = arith.constant 0 : i32
        %sign3A_382 = arith.cmpi slt, %jit3A_369, %sign3A_381 : i32
        %sign3A_383 = arith.extui %sign3A_382 : i1 to i32
        %sign3A_384 = arith.subi %sign3A_380, %sign3A_383 : i32
        %ne3A_385 = arith.cmpi ne, %sign3A_377, %sign3A_384 : i32
        %rem3A_386 = arith.remsi %add3A_368, %jit3A_369 : i32
        %ne3A_387 = arith.constant 0 : i32
        %ne3A_388 = arith.cmpi ne, %rem3A_386, %ne3A_387 : i32
        %and3A_389 = arith.andi %ne3A_385, %ne3A_388 : i1
        %sub3A_390 = arith.constant 1 : i32
        %sub3A_391 = arith.subi %div3A_370, %sub3A_390 : i32
        %select_n3A_392 = arith.select %and3A_389, %sub3A_391, %div3A_370 : i32
        %mul3A_393 = arith.constant 200 : i32
        %mul3A_394 = arith.muli %select_n3A_206, %mul3A_393 : i32
        %add3A_395 = arith.addi %mul3A_2, %mul3A_394 : i32
        %add3A_396 = arith.constant 128 : i32
        %add3A_397 = arith.addi %add3A_395, %add3A_396 : i32
        %dma_wait3A_398 = arith.constant 1 : i32
        %dma_wait3A_399 = arith.constant 0 : i32
        %dma_wait3A_400 = arith.constant 0 : i32
        %dma_wait3A_401 = tpu.memref_slice %arg6[%dma_wait3A_398, %dma_wait3A_399, %dma_wait3A_400] : memref<4x128x128xf32, #tpu.memory_space<vmem>> -> memref<1x72x128xf32, #tpu.memory_space<vmem>>
        %dma_wait3A_402 = tpu.memref_squeeze %dma_wait3A_401 : memref<1x72x128xf32, #tpu.memory_space<vmem>> -> memref<72x128xf32, #tpu.memory_space<vmem>>
        %dma_wait3A_403 = arith.constant 0 : i32
        %dma_wait3A_404 = tpu.memref_slice %arg4[%add3A_397, %dma_wait3A_403] : memref<204800x128xf32, #tpu.memory_space<hbm>> -> memref<72x128xf32, #tpu.memory_space<hbm>>
        %dma_wait3A_405 = arith.constant 0 : i32
        %dma_wait3A_406 = tpu.memref_slice %arg4[%add3A_397, %dma_wait3A_405] : memref<204800x128xf32, #tpu.memory_space<hbm>> -> memref<72x128xf32, #tpu.memory_space<hbm>>
        %dma_wait3A_407 = arith.constant 0 : i32
        %dma_wait3A_408 = arith.constant 0 : i32
        %dma_wait3A_409 = tpu.memref_slice %arg6[%dma_wait3A_398, %dma_wait3A_407, %dma_wait3A_408] : memref<4x128x128xf32, #tpu.memory_space<vmem>> -> memref<1x72x128xf32, #tpu.memory_space<vmem>>
        %dma_wait3A_410 = tpu.memref_squeeze %dma_wait3A_409 : memref<1x72x128xf32, #tpu.memory_space<vmem>> -> memref<72x128xf32, #tpu.memory_space<vmem>>
        tpu.wait_dma2 semaphore(%arg12 : memref<!tpu.dma_semaphore, #tpu.memory_space<semaphore_mem>>) src(%dma_wait3A_410 : memref<72x128xf32, #tpu.memory_space<vmem>>) dst(%dma_wait3A_406 : memref<72x128xf32, #tpu.memory_space<hbm>>)
        %dma_start3A_411 = arith.constant 1 : i32
        %dma_start3A_412 = arith.constant 0 : i32
        %dma_start3A_413 = arith.constant 0 : i32
        %dma_start3A_414 = tpu.memref_slice %arg6[%dma_start3A_411, %dma_start3A_412, %dma_start3A_413] : memref<4x128x128xf32, #tpu.memory_space<vmem>> -> memref<1x72x128xf32, #tpu.memory_space<vmem>>
        %dma_start3A_415 = tpu.memref_squeeze %dma_start3A_414 : memref<1x72x128xf32, #tpu.memory_space<vmem>> -> memref<72x128xf32, #tpu.memory_space<vmem>>
        %dma_start3A_416 = arith.constant 128 : i32
        %dma_start3A_417 = tpu.memref_slice %arg5[%select_n3A_392, %dma_start3A_416] : memref<32x200xi32, #tpu.memory_space<vmem>> -> memref<1x72xi32, #tpu.memory_space<vmem>>
        %dma_start3A_418 = tpu.memref_squeeze %dma_start3A_417 : memref<1x72xi32, #tpu.memory_space<vmem>> -> memref<72xi32, #tpu.memory_space<vmem>>
        %dma_start3A_419 = arith.constant 0 : i32
        %dma_start3A_420 = arith.constant 0 : i32
        %dma_start3A_421 = tpu.memref_slice %arg3[%dma_start3A_419, %dma_start3A_420] : memref<100000x128xf32, #tpu.memory_space<hbm>> -> memref<100000x128xf32, #tpu.memory_space<hbm>>
        tpu.enqueue_indirect_dma source(%dma_start3A_421 : memref<100000x128xf32, #tpu.memory_space<hbm>>) target(%dma_start3A_415 : memref<72x128xf32, #tpu.memory_space<vmem>>) offsets(%dma_start3A_418 : memref<72xi32, #tpu.memory_space<vmem>>) semaphore(%arg8 : memref<!tpu.dma_semaphore, #tpu.memory_space<semaphore_mem>>)
      } else {
      }
      %add3A_243 = arith.constant 2 : i32
      %add3A_244 = arith.addi %mul3A_129, %add3A_243 : i32
      %jit3A_245 = arith.constant 2 : i32
      %div3A_246 = arith.divsi %add3A_244, %jit3A_245 : i32
      %sign3A_247 = arith.constant 0 : i32
      %sign3A_248 = arith.cmpi sgt, %add3A_244, %sign3A_247 : i32
      %sign3A_249 = arith.extui %sign3A_248 : i1 to i32
      %sign3A_250 = arith.constant 0 : i32
      %sign3A_251 = arith.cmpi slt, %add3A_244, %sign3A_250 : i32
      %sign3A_252 = arith.extui %sign3A_251 : i1 to i32
      %sign3A_253 = arith.subi %sign3A_249, %sign3A_252 : i32
      %sign3A_254 = arith.constant 0 : i32
      %sign3A_255 = arith.cmpi sgt, %jit3A_245, %sign3A_254 : i32
      %sign3A_256 = arith.extui %sign3A_255 : i1 to i32
      %sign3A_257 = arith.constant 0 : i32
      %sign3A_258 = arith.cmpi slt, %jit3A_245, %sign3A_257 : i32
      %sign3A_259 = arith.extui %sign3A_258 : i1 to i32
      %sign3A_260 = arith.subi %sign3A_256, %sign3A_259 : i32
      %ne3A_261 = arith.cmpi ne, %sign3A_253, %sign3A_260 : i32
      %rem3A_262 = arith.remsi %add3A_244, %jit3A_245 : i32
      %ne3A_263 = arith.constant 0 : i32
      %ne3A_264 = arith.cmpi ne, %rem3A_262, %ne3A_263 : i32
      %and3A_265 = arith.andi %ne3A_261, %ne3A_264 : i1
      %sub3A_266 = arith.constant 1 : i32
      %sub3A_267 = arith.subi %div3A_246, %sub3A_266 : i32
      %select_n3A_268 = arith.select %and3A_265, %sub3A_267, %div3A_246 : i32
      %dma_wait3A_269 = arith.constant 2 : i32
      %dma_wait3A_270 = arith.constant 0 : i32
      %dma_wait3A_271 = arith.constant 0 : i32
      %dma_wait3A_272 = tpu.memref_slice %arg6[%dma_wait3A_269, %dma_wait3A_270, %dma_wait3A_271] : memref<4x128x128xf32, #tpu.memory_space<vmem>> -> memref<1x128x128xf32, #tpu.memory_space<vmem>>
      %dma_wait3A_273 = tpu.memref_squeeze %dma_wait3A_272 : memref<1x128x128xf32, #tpu.memory_space<vmem>> -> memref<128x128xf32, #tpu.memory_space<vmem>>
      %dma_wait3A_274 = arith.constant 0 : i32
      %dma_wait3A_275 = tpu.memref_slice %arg5[%select_n3A_268, %dma_wait3A_274] : memref<32x200xi32, #tpu.memory_space<vmem>> -> memref<1x128xi32, #tpu.memory_space<vmem>>
      %dma_wait3A_276 = tpu.memref_squeeze %dma_wait3A_275 : memref<1x128xi32, #tpu.memory_space<vmem>> -> memref<128xi32, #tpu.memory_space<vmem>>
      %dma_wait3A_277 = arith.constant 0 : i32
      %dma_wait3A_278 = arith.constant 0 : i32
      %dma_wait3A_279 = tpu.memref_slice %arg3[%dma_wait3A_277, %dma_wait3A_278] : memref<100000x128xf32, #tpu.memory_space<hbm>> -> memref<100000x128xf32, #tpu.memory_space<hbm>>
      tpu.wait_indirect_dma semaphore(%arg9 : memref<!tpu.dma_semaphore, #tpu.memory_space<semaphore_mem>>) src(%dma_wait3A_279 : memref<100000x128xf32, #tpu.memory_space<hbm>>) dst(%dma_wait3A_273 : memref<128x128xf32, #tpu.memory_space<vmem>>)
      %mul3A_280 = arith.constant 200 : i32
      %mul3A_281 = arith.muli %select_n3A_268, %mul3A_280 : i32
      %add3A_282 = arith.addi %mul3A_2, %mul3A_281 : i32
      %add3A_283 = arith.constant 0 : i32
      %add3A_284 = arith.addi %add3A_282, %add3A_283 : i32
      %dma_start3A_285 = arith.constant 2 : i32
      %dma_start3A_286 = arith.constant 0 : i32
      %dma_start3A_287 = arith.constant 0 : i32
      %dma_start3A_288 = tpu.memref_slice %arg6[%dma_start3A_285, %dma_start3A_286, %dma_start3A_287] : memref<4x128x128xf32, #tpu.memory_space<vmem>> -> memref<1x128x128xf32, #tpu.memory_space<vmem>>
      %dma_start3A_289 = tpu.memref_squeeze %dma_start3A_288 : memref<1x128x128xf32, #tpu.memory_space<vmem>> -> memref<128x128xf32, #tpu.memory_space<vmem>>
      %dma_start3A_290 = arith.constant 0 : i32
      %dma_start3A_291 = tpu.memref_slice %arg4[%add3A_284, %dma_start3A_290] : memref<204800x128xf32, #tpu.memory_space<hbm>> -> memref<128x128xf32, #tpu.memory_space<hbm>>
      %dma_start3A_292 = arith.constant 0 : i32
      %dma_start3A_293 = tpu.memref_slice %arg4[%add3A_284, %dma_start3A_292] : memref<204800x128xf32, #tpu.memory_space<hbm>> -> memref<128x128xf32, #tpu.memory_space<hbm>>
      %dma_start3A_294 = arith.constant 0 : i32
      %dma_start3A_295 = arith.constant 0 : i32
      %dma_start3A_296 = tpu.memref_slice %arg6[%dma_start3A_285, %dma_start3A_294, %dma_start3A_295] : memref<4x128x128xf32, #tpu.memory_space<vmem>> -> memref<1x128x128xf32, #tpu.memory_space<vmem>>
      %dma_start3A_297 = tpu.memref_squeeze %dma_start3A_296 : memref<1x128x128xf32, #tpu.memory_space<vmem>> -> memref<128x128xf32, #tpu.memory_space<vmem>>
      tpu.enqueue_dma source(%dma_start3A_297 : memref<128x128xf32, #tpu.memory_space<vmem>>) target(%dma_start3A_293 : memref<128x128xf32, #tpu.memory_space<hbm>>) target_semaphore(%arg13 : memref<!tpu.dma_semaphore, #tpu.memory_space<semaphore_mem>>)
      %add3A_298 = arith.constant 4 : i32
      %add3A_299 = arith.addi %add3A_244, %add3A_298 : i32
      %lt3A_300 = arith.constant 64 : i32
      %lt3A_301 = arith.cmpi slt, %add3A_299, %lt3A_300 : i32
      %convert_element_type3A_302 = arith.extui %lt3A_301 : i1 to i32
      %cond3A_303 = arith.constant 0 : i32
      %cond3A_304 = arith.cmpi ne, %convert_element_type3A_302, %cond3A_303 : i32
      scf.if %cond3A_304 {
        %add3A_367 = arith.constant 4 : i32
        %add3A_368 = arith.addi %add3A_244, %add3A_367 : i32
        %jit3A_369 = arith.constant 2 : i32
        %div3A_370 = arith.divsi %add3A_368, %jit3A_369 : i32
        %sign3A_371 = arith.constant 0 : i32
        %sign3A_372 = arith.cmpi sgt, %add3A_368, %sign3A_371 : i32
        %sign3A_373 = arith.extui %sign3A_372 : i1 to i32
        %sign3A_374 = arith.constant 0 : i32
        %sign3A_375 = arith.cmpi slt, %add3A_368, %sign3A_374 : i32
        %sign3A_376 = arith.extui %sign3A_375 : i1 to i32
        %sign3A_377 = arith.subi %sign3A_373, %sign3A_376 : i32
        %sign3A_378 = arith.constant 0 : i32
        %sign3A_379 = arith.cmpi sgt, %jit3A_369, %sign3A_378 : i32
        %sign3A_380 = arith.extui %sign3A_379 : i1 to i32
        %sign3A_381 = arith.constant 0 : i32
        %sign3A_382 = arith.cmpi slt, %jit3A_369, %sign3A_381 : i32
        %sign3A_383 = arith.extui %sign3A_382 : i1 to i32
        %sign3A_384 = arith.subi %sign3A_380, %sign3A_383 : i32
        %ne3A_385 = arith.cmpi ne, %sign3A_377, %sign3A_384 : i32
        %rem3A_386 = arith.remsi %add3A_368, %jit3A_369 : i32
        %ne3A_387 = arith.constant 0 : i32
        %ne3A_388 = arith.cmpi ne, %rem3A_386, %ne3A_387 : i32
        %and3A_389 = arith.andi %ne3A_385, %ne3A_388 : i1
        %sub3A_390 = arith.constant 1 : i32
        %sub3A_391 = arith.subi %div3A_370, %sub3A_390 : i32
        %select_n3A_392 = arith.select %and3A_389, %sub3A_391, %div3A_370 : i32
        %mul3A_393 = arith.constant 200 : i32
        %mul3A_394 = arith.muli %select_n3A_268, %mul3A_393 : i32
        %add3A_395 = arith.addi %mul3A_2, %mul3A_394 : i32
        %add3A_396 = arith.constant 0 : i32
        %add3A_397 = arith.addi %add3A_395, %add3A_396 : i32
        %dma_wait3A_398 = arith.constant 2 : i32
        %dma_wait3A_399 = arith.constant 0 : i32
        %dma_wait3A_400 = arith.constant 0 : i32
        %dma_wait3A_401 = tpu.memref_slice %arg6[%dma_wait3A_398, %dma_wait3A_399, %dma_wait3A_400] : memref<4x128x128xf32, #tpu.memory_space<vmem>> -> memref<1x128x128xf32, #tpu.memory_space<vmem>>
        %dma_wait3A_402 = tpu.memref_squeeze %dma_wait3A_401 : memref<1x128x128xf32, #tpu.memory_space<vmem>> -> memref<128x128xf32, #tpu.memory_space<vmem>>
        %dma_wait3A_403 = arith.constant 0 : i32
        %dma_wait3A_404 = tpu.memref_slice %arg4[%add3A_397, %dma_wait3A_403] : memref<204800x128xf32, #tpu.memory_space<hbm>> -> memref<128x128xf32, #tpu.memory_space<hbm>>
        %dma_wait3A_405 = arith.constant 0 : i32
        %dma_wait3A_406 = tpu.memref_slice %arg4[%add3A_397, %dma_wait3A_405] : memref<204800x128xf32, #tpu.memory_space<hbm>> -> memref<128x128xf32, #tpu.memory_space<hbm>>
        %dma_wait3A_407 = arith.constant 0 : i32
        %dma_wait3A_408 = arith.constant 0 : i32
        %dma_wait3A_409 = tpu.memref_slice %arg6[%dma_wait3A_398, %dma_wait3A_407, %dma_wait3A_408] : memref<4x128x128xf32, #tpu.memory_space<vmem>> -> memref<1x128x128xf32, #tpu.memory_space<vmem>>
        %dma_wait3A_410 = tpu.memref_squeeze %dma_wait3A_409 : memref<1x128x128xf32, #tpu.memory_space<vmem>> -> memref<128x128xf32, #tpu.memory_space<vmem>>
        tpu.wait_dma2 semaphore(%arg13 : memref<!tpu.dma_semaphore, #tpu.memory_space<semaphore_mem>>) src(%dma_wait3A_410 : memref<128x128xf32, #tpu.memory_space<vmem>>) dst(%dma_wait3A_406 : memref<128x128xf32, #tpu.memory_space<hbm>>)
        %dma_start3A_411 = arith.constant 2 : i32
        %dma_start3A_412 = arith.constant 0 : i32
        %dma_start3A_413 = arith.constant 0 : i32
        %dma_start3A_414 = tpu.memref_slice %arg6[%dma_start3A_411, %dma_start3A_412, %dma_start3A_413] : memref<4x128x128xf32, #tpu.memory_space<vmem>> -> memref<1x128x128xf32, #tpu.memory_space<vmem>>
        %dma_start3A_415 = tpu.memref_squeeze %dma_start3A_414 : memref<1x128x128xf32, #tpu.memory_space<vmem>> -> memref<128x128xf32, #tpu.memory_space<vmem>>
        %dma_start3A_416 = arith.constant 0 : i32
        %dma_start3A_417 = tpu.memref_slice %arg5[%select_n3A_392, %dma_start3A_416] : memref<32x200xi32, #tpu.memory_space<vmem>> -> memref<1x128xi32, #tpu.memory_space<vmem>>
        %dma_start3A_418 = tpu.memref_squeeze %dma_start3A_417 : memref<1x128xi32, #tpu.memory_space<vmem>> -> memref<128xi32, #tpu.memory_space<vmem>>
        %dma_start3A_419 = arith.constant 0 : i32
        %dma_start3A_420 = arith.constant 0 : i32
        %dma_start3A_421 = tpu.memref_slice %arg3[%dma_start3A_419, %dma_start3A_420] : memref<100000x128xf32, #tpu.memory_space<hbm>> -> memref<100000x128xf32, #tpu.memory_space<hbm>>
        tpu.enqueue_indirect_dma source(%dma_start3A_421 : memref<100000x128xf32, #tpu.memory_space<hbm>>) target(%dma_start3A_415 : memref<128x128xf32, #tpu.memory_space<vmem>>) offsets(%dma_start3A_418 : memref<128xi32, #tpu.memory_space<vmem>>) semaphore(%arg9 : memref<!tpu.dma_semaphore, #tpu.memory_space<semaphore_mem>>)
      } else {
      }
      %add3A_305 = arith.constant 3 : i32
      %add3A_306 = arith.addi %mul3A_129, %add3A_305 : i32
      %jit3A_307 = arith.constant 2 : i32
      %div3A_308 = arith.divsi %add3A_306, %jit3A_307 : i32
      %sign3A_309 = arith.constant 0 : i32
      %sign3A_310 = arith.cmpi sgt, %add3A_306, %sign3A_309 : i32
      %sign3A_311 = arith.extui %sign3A_310 : i1 to i32
      %sign3A_312 = arith.constant 0 : i32
      %sign3A_313 = arith.cmpi slt, %add3A_306, %sign3A_312 : i32
      %sign3A_314 = arith.extui %sign3A_313 : i1 to i32
      %sign3A_315 = arith.subi %sign3A_311, %sign3A_314 : i32
      %sign3A_316 = arith.constant 0 : i32
      %sign3A_317 = arith.cmpi sgt, %jit3A_307, %sign3A_316 : i32
      %sign3A_318 = arith.extui %sign3A_317 : i1 to i32
      %sign3A_319 = arith.constant 0 : i32
      %sign3A_320 = arith.cmpi slt, %jit3A_307, %sign3A_319 : i32
      %sign3A_321 = arith.extui %sign3A_320 : i1 to i32
      %sign3A_322 = arith.subi %sign3A_318, %sign3A_321 : i32
      %ne3A_323 = arith.cmpi ne, %sign3A_315, %sign3A_322 : i32
      %rem3A_324 = arith.remsi %add3A_306, %jit3A_307 : i32
      %ne3A_325 = arith.constant 0 : i32
      %ne3A_326 = arith.cmpi ne, %rem3A_324, %ne3A_325 : i32
      %and3A_327 = arith.andi %ne3A_323, %ne3A_326 : i1
      %sub3A_328 = arith.constant 1 : i32
      %sub3A_329 = arith.subi %div3A_308, %sub3A_328 : i32
      %select_n3A_330 = arith.select %and3A_327, %sub3A_329, %div3A_308 : i32
      %dma_wait3A_331 = arith.constant 3 : i32
      %dma_wait3A_332 = arith.constant 0 : i32
      %dma_wait3A_333 = arith.constant 0 : i32
      %dma_wait3A_334 = tpu.memref_slice %arg6[%dma_wait3A_331, %dma_wait3A_332, %dma_wait3A_333] : memref<4x128x128xf32, #tpu.memory_space<vmem>> -> memref<1x72x128xf32, #tpu.memory_space<vmem>>
      %dma_wait3A_335 = tpu.memref_squeeze %dma_wait3A_334 : memref<1x72x128xf32, #tpu.memory_space<vmem>> -> memref<72x128xf32, #tpu.memory_space<vmem>>
      %dma_wait3A_336 = arith.constant 128 : i32
      %dma_wait3A_337 = tpu.memref_slice %arg5[%select_n3A_330, %dma_wait3A_336] : memref<32x200xi32, #tpu.memory_space<vmem>> -> memref<1x72xi32, #tpu.memory_space<vmem>>
      %dma_wait3A_338 = tpu.memref_squeeze %dma_wait3A_337 : memref<1x72xi32, #tpu.memory_space<vmem>> -> memref<72xi32, #tpu.memory_space<vmem>>
      %dma_wait3A_339 = arith.constant 0 : i32
      %dma_wait3A_340 = arith.constant 0 : i32
      %dma_wait3A_341 = tpu.memref_slice %arg3[%dma_wait3A_339, %dma_wait3A_340] : memref<100000x128xf32, #tpu.memory_space<hbm>> -> memref<100000x128xf32, #tpu.memory_space<hbm>>
      tpu.wait_indirect_dma semaphore(%arg10 : memref<!tpu.dma_semaphore, #tpu.memory_space<semaphore_mem>>) src(%dma_wait3A_341 : memref<100000x128xf32, #tpu.memory_space<hbm>>) dst(%dma_wait3A_335 : memref<72x128xf32, #tpu.memory_space<vmem>>)
      %mul3A_342 = arith.constant 200 : i32
      %mul3A_343 = arith.muli %select_n3A_330, %mul3A_342 : i32
      %add3A_344 = arith.addi %mul3A_2, %mul3A_343 : i32
      %add3A_345 = arith.constant 128 : i32
      %add3A_346 = arith.addi %add3A_344, %add3A_345 : i32
      %dma_start3A_347 = arith.constant 3 : i32
      %dma_start3A_348 = arith.constant 0 : i32
      %dma_start3A_349 = arith.constant 0 : i32
      %dma_start3A_350 = tpu.memref_slice %arg6[%dma_start3A_347, %dma_start3A_348, %dma_start3A_349] : memref<4x128x128xf32, #tpu.memory_space<vmem>> -> memref<1x72x128xf32, #tpu.memory_space<vmem>>
      %dma_start3A_351 = tpu.memref_squeeze %dma_start3A_350 : memref<1x72x128xf32, #tpu.memory_space<vmem>> -> memref<72x128xf32, #tpu.memory_space<vmem>>
      %dma_start3A_352 = arith.constant 0 : i32
      %dma_start3A_353 = tpu.memref_slice %arg4[%add3A_346, %dma_start3A_352] : memref<204800x128xf32, #tpu.memory_space<hbm>> -> memref<72x128xf32, #tpu.memory_space<hbm>>
      %dma_start3A_354 = arith.constant 0 : i32
      %dma_start3A_355 = tpu.memref_slice %arg4[%add3A_346, %dma_start3A_354] : memref<204800x128xf32, #tpu.memory_space<hbm>> -> memref<72x128xf32, #tpu.memory_space<hbm>>
      %dma_start3A_356 = arith.constant 0 : i32
      %dma_start3A_357 = arith.constant 0 : i32
      %dma_start3A_358 = tpu.memref_slice %arg6[%dma_start3A_347, %dma_start3A_356, %dma_start3A_357] : memref<4x128x128xf32, #tpu.memory_space<vmem>> -> memref<1x72x128xf32, #tpu.memory_space<vmem>>
      %dma_start3A_359 = tpu.memref_squeeze %dma_start3A_358 : memref<1x72x128xf32, #tpu.memory_space<vmem>> -> memref<72x128xf32, #tpu.memory_space<vmem>>
      tpu.enqueue_dma source(%dma_start3A_359 : memref<72x128xf32, #tpu.memory_space<vmem>>) target(%dma_start3A_355 : memref<72x128xf32, #tpu.memory_space<hbm>>) target_semaphore(%arg14 : memref<!tpu.dma_semaphore, #tpu.memory_space<semaphore_mem>>)
      %add3A_360 = arith.constant 4 : i32
      %add3A_361 = arith.addi %add3A_306, %add3A_360 : i32
      %lt3A_362 = arith.constant 64 : i32
      %lt3A_363 = arith.cmpi slt, %add3A_361, %lt3A_362 : i32
      %convert_element_type3A_364 = arith.extui %lt3A_363 : i1 to i32
      %cond3A_365 = arith.constant 0 : i32
      %cond3A_366 = arith.cmpi ne, %convert_element_type3A_364, %cond3A_365 : i32
      scf.if %cond3A_366 {
        %add3A_367 = arith.constant 4 : i32
        %add3A_368 = arith.addi %add3A_306, %add3A_367 : i32
        %jit3A_369 = arith.constant 2 : i32
        %div3A_370 = arith.divsi %add3A_368, %jit3A_369 : i32
        %sign3A_371 = arith.constant 0 : i32
        %sign3A_372 = arith.cmpi sgt, %add3A_368, %sign3A_371 : i32
        %sign3A_373 = arith.extui %sign3A_372 : i1 to i32
        %sign3A_374 = arith.constant 0 : i32
        %sign3A_375 = arith.cmpi slt, %add3A_368, %sign3A_374 : i32
        %sign3A_376 = arith.extui %sign3A_375 : i1 to i32
        %sign3A_377 = arith.subi %sign3A_373, %sign3A_376 : i32
        %sign3A_378 = arith.constant 0 : i32
        %sign3A_379 = arith.cmpi sgt, %jit3A_369, %sign3A_378 : i32
        %sign3A_380 = arith.extui %sign3A_379 : i1 to i32
        %sign3A_381 = arith.constant 0 : i32
        %sign3A_382 = arith.cmpi slt, %jit3A_369, %sign3A_381 : i32
        %sign3A_383 = arith.extui %sign3A_382 : i1 to i32
        %sign3A_384 = arith.subi %sign3A_380, %sign3A_383 : i32
        %ne3A_385 = arith.cmpi ne, %sign3A_377, %sign3A_384 : i32
        %rem3A_386 = arith.remsi %add3A_368, %jit3A_369 : i32
        %ne3A_387 = arith.constant 0 : i32
        %ne3A_388 = arith.cmpi ne, %rem3A_386, %ne3A_387 : i32
        %and3A_389 = arith.andi %ne3A_385, %ne3A_388 : i1
        %sub3A_390 = arith.constant 1 : i32
        %sub3A_391 = arith.subi %div3A_370, %sub3A_390 : i32
        %select_n3A_392 = arith.select %and3A_389, %sub3A_391, %div3A_370 : i32
        %mul3A_393 = arith.constant 200 : i32
        %mul3A_394 = arith.muli %select_n3A_330, %mul3A_393 : i32
        %add3A_395 = arith.addi %mul3A_2, %mul3A_394 : i32
        %add3A_396 = arith.constant 128 : i32
        %add3A_397 = arith.addi %add3A_395, %add3A_396 : i32
        %dma_wait3A_398 = arith.constant 3 : i32
        %dma_wait3A_399 = arith.constant 0 : i32
        %dma_wait3A_400 = arith.constant 0 : i32
        %dma_wait3A_401 = tpu.memref_slice %arg6[%dma_wait3A_398, %dma_wait3A_399, %dma_wait3A_400] : memref<4x128x128xf32, #tpu.memory_space<vmem>> -> memref<1x72x128xf32, #tpu.memory_space<vmem>>
        %dma_wait3A_402 = tpu.memref_squeeze %dma_wait3A_401 : memref<1x72x128xf32, #tpu.memory_space<vmem>> -> memref<72x128xf32, #tpu.memory_space<vmem>>
        %dma_wait3A_403 = arith.constant 0 : i32
        %dma_wait3A_404 = tpu.memref_slice %arg4[%add3A_397, %dma_wait3A_403] : memref<204800x128xf32, #tpu.memory_space<hbm>> -> memref<72x128xf32, #tpu.memory_space<hbm>>
        %dma_wait3A_405 = arith.constant 0 : i32
        %dma_wait3A_406 = tpu.memref_slice %arg4[%add3A_397, %dma_wait3A_405] : memref<204800x128xf32, #tpu.memory_space<hbm>> -> memref<72x128xf32, #tpu.memory_space<hbm>>
        %dma_wait3A_407 = arith.constant 0 : i32
        %dma_wait3A_408 = arith.constant 0 : i32
        %dma_wait3A_409 = tpu.memref_slice %arg6[%dma_wait3A_398, %dma_wait3A_407, %dma_wait3A_408] : memref<4x128x128xf32, #tpu.memory_space<vmem>> -> memref<1x72x128xf32, #tpu.memory_space<vmem>>
        %dma_wait3A_410 = tpu.memref_squeeze %dma_wait3A_409 : memref<1x72x128xf32, #tpu.memory_space<vmem>> -> memref<72x128xf32, #tpu.memory_space<vmem>>
        tpu.wait_dma2 semaphore(%arg14 : memref<!tpu.dma_semaphore, #tpu.memory_space<semaphore_mem>>) src(%dma_wait3A_410 : memref<72x128xf32, #tpu.memory_space<vmem>>) dst(%dma_wait3A_406 : memref<72x128xf32, #tpu.memory_space<hbm>>)
        %dma_start3A_411 = arith.constant 3 : i32
        %dma_start3A_412 = arith.constant 0 : i32
        %dma_start3A_413 = arith.constant 0 : i32
        %dma_start3A_414 = tpu.memref_slice %arg6[%dma_start3A_411, %dma_start3A_412, %dma_start3A_413] : memref<4x128x128xf32, #tpu.memory_space<vmem>> -> memref<1x72x128xf32, #tpu.memory_space<vmem>>
        %dma_start3A_415 = tpu.memref_squeeze %dma_start3A_414 : memref<1x72x128xf32, #tpu.memory_space<vmem>> -> memref<72x128xf32, #tpu.memory_space<vmem>>
        %dma_start3A_416 = arith.constant 128 : i32
        %dma_start3A_417 = tpu.memref_slice %arg5[%select_n3A_392, %dma_start3A_416] : memref<32x200xi32, #tpu.memory_space<vmem>> -> memref<1x72xi32, #tpu.memory_space<vmem>>
        %dma_start3A_418 = tpu.memref_squeeze %dma_start3A_417 : memref<1x72xi32, #tpu.memory_space<vmem>> -> memref<72xi32, #tpu.memory_space<vmem>>
        %dma_start3A_419 = arith.constant 0 : i32
        %dma_start3A_420 = arith.constant 0 : i32
        %dma_start3A_421 = tpu.memref_slice %arg3[%dma_start3A_419, %dma_start3A_420] : memref<100000x128xf32, #tpu.memory_space<hbm>> -> memref<100000x128xf32, #tpu.memory_space<hbm>>
        tpu.enqueue_indirect_dma source(%dma_start3A_421 : memref<100000x128xf32, #tpu.memory_space<hbm>>) target(%dma_start3A_415 : memref<72x128xf32, #tpu.memory_space<vmem>>) offsets(%dma_start3A_418 : memref<72xi32, #tpu.memory_space<vmem>>) semaphore(%arg10 : memref<!tpu.dma_semaphore, #tpu.memory_space<semaphore_mem>>)
      } else {
      }
    }
    %scan3A_55 = arith.constant 16 : i32
    %add3A_56 = arith.constant 6000 : i32
    %add3A_57 = arith.addi %mul3A_2, %add3A_56 : i32
    %add3A_58 = arith.constant 0 : i32
    %add3A_59 = arith.addi %add3A_57, %add3A_58 : i32
    %dma_wait3A = arith.constant 0 : i32
    %dma_wait3A_60 = arith.constant 0 : i32
    %dma_wait3A_61 = arith.constant 0 : i32
    %dma_wait3A_62 = tpu.memref_slice %arg6[%dma_wait3A, %dma_wait3A_60, %dma_wait3A_61] : memref<4x128x128xf32, #tpu.memory_space<vmem>> -> memref<1x128x128xf32, #tpu.memory_space<vmem>>
    %dma_wait3A_63 = tpu.memref_squeeze %dma_wait3A_62 : memref<1x128x128xf32, #tpu.memory_space<vmem>> -> memref<128x128xf32, #tpu.memory_space<vmem>>
    %dma_wait3A_64 = arith.constant 0 : i32
    %dma_wait3A_65 = tpu.memref_slice %arg4[%add3A_59, %dma_wait3A_64] : memref<204800x128xf32, #tpu.memory_space<hbm>> -> memref<128x128xf32, #tpu.memory_space<hbm>>
    %dma_wait3A_66 = arith.constant 0 : i32
    %dma_wait3A_67 = tpu.memref_slice %arg4[%add3A_59, %dma_wait3A_66] : memref<204800x128xf32, #tpu.memory_space<hbm>> -> memref<128x128xf32, #tpu.memory_space<hbm>>
    %dma_wait3A_68 = arith.constant 0 : i32
    %dma_wait3A_69 = arith.constant 0 : i32
    %dma_wait3A_70 = tpu.memref_slice %arg6[%dma_wait3A, %dma_wait3A_68, %dma_wait3A_69] : memref<4x128x128xf32, #tpu.memory_space<vmem>> -> memref<1x128x128xf32, #tpu.memory_space<vmem>>
    %dma_wait3A_71 = tpu.memref_squeeze %dma_wait3A_70 : memref<1x128x128xf32, #tpu.memory_space<vmem>> -> memref<128x128xf32, #tpu.memory_space<vmem>>
    tpu.wait_dma2 semaphore(%arg11 : memref<!tpu.dma_semaphore, #tpu.memory_space<semaphore_mem>>) src(%dma_wait3A_71 : memref<128x128xf32, #tpu.memory_space<vmem>>) dst(%dma_wait3A_67 : memref<128x128xf32, #tpu.memory_space<hbm>>)
    %add3A_72 = arith.constant 6000 : i32
    %add3A_73 = arith.addi %mul3A_2, %add3A_72 : i32
    %add3A_74 = arith.constant 128 : i32
    %add3A_75 = arith.addi %add3A_73, %add3A_74 : i32
    %dma_wait3A_76 = arith.constant 1 : i32
    %dma_wait3A_77 = arith.constant 0 : i32
    %dma_wait3A_78 = arith.constant 0 : i32
    %dma_wait3A_79 = tpu.memref_slice %arg6[%dma_wait3A_76, %dma_wait3A_77, %dma_wait3A_78] : memref<4x128x128xf32, #tpu.memory_space<vmem>> -> memref<1x72x128xf32, #tpu.memory_space<vmem>>
    %dma_wait3A_80 = tpu.memref_squeeze %dma_wait3A_79 : memref<1x72x128xf32, #tpu.memory_space<vmem>> -> memref<72x128xf32, #tpu.memory_space<vmem>>
    %dma_wait3A_81 = arith.constant 0 : i32
    %dma_wait3A_82 = tpu.memref_slice %arg4[%add3A_75, %dma_wait3A_81] : memref<204800x128xf32, #tpu.memory_space<hbm>> -> memref<72x128xf32, #tpu.memory_space<hbm>>
    %dma_wait3A_83 = arith.constant 0 : i32
    %dma_wait3A_84 = tpu.memref_slice %arg4[%add3A_75, %dma_wait3A_83] : memref<204800x128xf32, #tpu.memory_space<hbm>> -> memref<72x128xf32, #tpu.memory_space<hbm>>
    %dma_wait3A_85 = arith.constant 0 : i32
    %dma_wait3A_86 = arith.constant 0 : i32
    %dma_wait3A_87 = tpu.memref_slice %arg6[%dma_wait3A_76, %dma_wait3A_85, %dma_wait3A_86] : memref<4x128x128xf32, #tpu.memory_space<vmem>> -> memref<1x72x128xf32, #tpu.memory_space<vmem>>
    %dma_wait3A_88 = tpu.memref_squeeze %dma_wait3A_87 : memref<1x72x128xf32, #tpu.memory_space<vmem>> -> memref<72x128xf32, #tpu.memory_space<vmem>>
    tpu.wait_dma2 semaphore(%arg12 : memref<!tpu.dma_semaphore, #tpu.memory_space<semaphore_mem>>) src(%dma_wait3A_88 : memref<72x128xf32, #tpu.memory_space<vmem>>) dst(%dma_wait3A_84 : memref<72x128xf32, #tpu.memory_space<hbm>>)
    %add3A_89 = arith.constant 6200 : i32
    %add3A_90 = arith.addi %mul3A_2, %add3A_89 : i32
    %add3A_91 = arith.constant 0 : i32
    %add3A_92 = arith.addi %add3A_90, %add3A_91 : i32
    %dma_wait3A_93 = arith.constant 2 : i32
    %dma_wait3A_94 = arith.constant 0 : i32
    %dma_wait3A_95 = arith.constant 0 : i32
    %dma_wait3A_96 = tpu.memref_slice %arg6[%dma_wait3A_93, %dma_wait3A_94, %dma_wait3A_95] : memref<4x128x128xf32, #tpu.memory_space<vmem>> -> memref<1x128x128xf32, #tpu.memory_space<vmem>>
    %dma_wait3A_97 = tpu.memref_squeeze %dma_wait3A_96 : memref<1x128x128xf32, #tpu.memory_space<vmem>> -> memref<128x128xf32, #tpu.memory_space<vmem>>
    %dma_wait3A_98 = arith.constant 0 : i32
    %dma_wait3A_99 = tpu.memref_slice %arg4[%add3A_92, %dma_wait3A_98] : memref<204800x128xf32, #tpu.memory_space<hbm>> -> memref<128x128xf32, #tpu.memory_space<hbm>>
    %dma_wait3A_100 = arith.constant 0 : i32
    %dma_wait3A_101 = tpu.memref_slice %arg4[%add3A_92, %dma_wait3A_100] : memref<204800x128xf32, #tpu.memory_space<hbm>> -> memref<128x128xf32, #tpu.memory_space<hbm>>
    %dma_wait3A_102 = arith.constant 0 : i32
    %dma_wait3A_103 = arith.constant 0 : i32
    %dma_wait3A_104 = tpu.memref_slice %arg6[%dma_wait3A_93, %dma_wait3A_102, %dma_wait3A_103] : memref<4x128x128xf32, #tpu.memory_space<vmem>> -> memref<1x128x128xf32, #tpu.memory_space<vmem>>
    %dma_wait3A_105 = tpu.memref_squeeze %dma_wait3A_104 : memref<1x128x128xf32, #tpu.memory_space<vmem>> -> memref<128x128xf32, #tpu.memory_space<vmem>>
    tpu.wait_dma2 semaphore(%arg13 : memref<!tpu.dma_semaphore, #tpu.memory_space<semaphore_mem>>) src(%dma_wait3A_105 : memref<128x128xf32, #tpu.memory_space<vmem>>) dst(%dma_wait3A_101 : memref<128x128xf32, #tpu.memory_space<hbm>>)
    %add3A_106 = arith.constant 6200 : i32
    %add3A_107 = arith.addi %mul3A_2, %add3A_106 : i32
    %add3A_108 = arith.constant 128 : i32
    %add3A_109 = arith.addi %add3A_107, %add3A_108 : i32
    %dma_wait3A_110 = arith.constant 3 : i32
    %dma_wait3A_111 = arith.constant 0 : i32
    %dma_wait3A_112 = arith.constant 0 : i32
    %dma_wait3A_113 = tpu.memref_slice %arg6[%dma_wait3A_110, %dma_wait3A_111, %dma_wait3A_112] : memref<4x128x128xf32, #tpu.memory_space<vmem>> -> memref<1x72x128xf32, #tpu.memory_space<vmem>>
    %dma_wait3A_114 = tpu.memref_squeeze %dma_wait3A_113 : memref<1x72x128xf32, #tpu.memory_space<vmem>> -> memref<72x128xf32, #tpu.memory_space<vmem>>
    %dma_wait3A_115 = arith.constant 0 : i32
    %dma_wait3A_116 = tpu.memref_slice %arg4[%add3A_109, %dma_wait3A_115] : memref<204800x128xf32, #tpu.memory_space<hbm>> -> memref<72x128xf32, #tpu.memory_space<hbm>>
    %dma_wait3A_117 = arith.constant 0 : i32
    %dma_wait3A_118 = tpu.memref_slice %arg4[%add3A_109, %dma_wait3A_117] : memref<204800x128xf32, #tpu.memory_space<hbm>> -> memref<72x128xf32, #tpu.memory_space<hbm>>
    %dma_wait3A_119 = arith.constant 0 : i32
    %dma_wait3A_120 = arith.constant 0 : i32
    %dma_wait3A_121 = tpu.memref_slice %arg6[%dma_wait3A_110, %dma_wait3A_119, %dma_wait3A_120] : memref<4x128x128xf32, #tpu.memory_space<vmem>> -> memref<1x72x128xf32, #tpu.memory_space<vmem>>
    %dma_wait3A_122 = tpu.memref_squeeze %dma_wait3A_121 : memref<1x72x128xf32, #tpu.memory_space<vmem>> -> memref<72x128xf32, #tpu.memory_space<vmem>>
    tpu.wait_dma2 semaphore(%arg14 : memref<!tpu.dma_semaphore, #tpu.memory_space<semaphore_mem>>) src(%dma_wait3A_122 : memref<72x128xf32, #tpu.memory_space<vmem>>) dst(%dma_wait3A_118 : memref<72x128xf32, #tpu.memory_space<hbm>>)
    return
  }
}

</mosaic_0001>

<sc_bundles>
// kernel: kernel.3.cloned.1.call-start
scs
__scs_entry_jumppad:
0x0: {  	(pc) =	sbr.rel $0x88, $3  }
0x1: {  	(tag) =	ssettag $0x0;
	lr =	simm.s32 $0x1  }
0x2: {  	[smem:$0x3F9F] =	sst lr;
	_ =	strace $0xD0000000  }
0x3: {  	_ = 	snop  }
0x4: {  	_ = 	snop  }
0x5: {  	_ = 	snop  }
0x6: {  	_ = 	snop  }
0x7: {  	_ = 	snop  }
__scs_overlays_trampoline_lowered:
0x8: {  	[smem:$0x3FAE] =	sst s0  }
0x9: {  	[smem:$0x3FAF] =	sst s1  }
0xa: {  	[smem:$0x3FB0] =	sst s2  }
0xb: {  	[smem:$0x3FB1] =	sst s3  }
0xc: {  	[smem:$0x3FB2] =	sst s4  }
0xd: {  	[smem:$0x3FB3] =	sst s5  }
0xe: {  	[smem:$0x3FB4] =	sst s6  }
0xf: {  	[smem:$0x3FB5] =	sst s7  }
0x10: {  	[smem:$0x3FB6] =	sst s8  }
0x11: {  	[smem:$0x3FB7] =	sst s9;
	s0 =	simm.s32 @!p0 $0x0  }
0x12: {  	s1 =	sld [smem:$0x3F9D];
	s0 =	simm.s32 @p0 $0x1  }
0x13: {  	[smem:$0x3FB8] =	sst s0;
	s0 =	simm.s32 @!p1 $0x0  }
0x14: {  	s2 =	sld [smem:$0x3F9C];
	s0 =	simm.s32 @p1 $0x1  }
0x15: {  	[smem:$0x3FB9] =	sst s0;
	s0 =	simm.s32 @!p2 $0x0  }
0x16: {  	s3 =	sld [smem:$0x3FDB];
	s0 =	simm.s32 @p2 $0x1  }
0x17: {  	s4 =	simm.s32 $0x1BF5;
	[smem:$0x3FBB] =	sst s0  }
0x18: {  	s0 =	sld [smem:$0x3F9E];
	_ =	swait.ge [sflag:s4], $0x0  }
0x19: {  	s7 =	sld [smem:$0x3F9F]  }
0x1a: {  	s8 =	sadd.s32 $0xFFFFE003, lr  }
0x1b: {  	s9 =	sadd.s32 $0xFFFFFEF7, lr;
	s5 =	simm.s32 $0xFFFFFFFF;
	p2 =	slt.u32 s8, $0xFFFFF086  }
0x1c: {  	p1 =	slt.u32 s9, $0xF7A;
	s5 =	simm.s32 @!p2 $0x0  }
0x1d: {  	s5 =	simm.s32 @p1 $0x1;
	p0 =	seq.s32 s7, s2  }
0x1e: {  	s7 =	smul.u32 @!p0 $0xF7A, s2;
	p2 =	seq.s32 @!p0 s5, $0x0  }
0x1f: {  	s9 =	smul.u32 $0xF7A, s1;
	s8 =	simm.s32 @!p0 $0x1BF5;
	p2 =	por !p2, p0  }
0x20: {  	[sflag:s8] =	ssyncset.s32 @!p0 $0xFFFFF086;
	s6 =	sadd.s32 @!p0 s3, s7;
	s7 =	simm.s32 @!p0 $0x108  }
0x21: {  	s3 =	sadd.s32 s3, s9;
	s6 =	sadd.s32 @!p0 $0x88, s6;
	s7 =	simm.s32 @p2 $0x1082  }
0x22: {  	[simem:s7], [sflag:s8] =	dma.local @!p0 [hbm:s6], $0xF7A  }
0x23: {  	s9 =	sor.u32 $0xD0000000, s2;
	s6 =	simm.s32 $0x108;
	_ =	swait.ge @!p0 [sflag:s8], $0x0  }
0x24: {  	s3 =	sadd.s32 $0x88, s3;
	s6 =	simm.s32 @!p1 $0x1082;
	[sflag:s4] =	ssyncset.s32 $0xFFFFF086  }
0x25: {  	[simem:s6], [sflag:s4] =	dma.local [hbm:s3], $0xF7A  }
0x26: {  	[smem:$0x3F9F] =	sst s1;
	(tag) =	ssettag s2;
	_ =	strace s9  }
0x27: {  	s1 =	sld [smem:$0x3FAF]  }
0x28: {  	s2 =	sld [smem:$0x3FB0]  }
0x29: {  	s4 =	sld [smem:$0x3FB2]  }
0x2a: {  	p0 =	seq.s32 s5, $0x0;
	s5 =	sld [smem:$0x3FB3]  }
0x2b: {  	s6 =	sld [smem:$0x3FB4]  }
0x2c: {  	s7 =	sld [smem:$0x3FB5]  }
0x2d: {  	s3 =	simm.s32 $0x108;
	s8 =	sld [smem:$0x3FB6]  }
0x2e: {  	s3 =	simm.s32 @!p0 $0x1082;
	s9 =	sld [smem:$0x3FB7]  }
0x2f: {  	lr =	sadd.s32 s0, s3;
	s0 =	sld [smem:$0x3FAE]  }
0x30: {  	s3 =	sld [smem:$0x3FB1]  }
0x31: {  	[smem:$0x3FBA] =	sst s10  }
0x32: {  	s10 =	sld [smem:$0x3FB8];
	_ =	sdelay $0x3  }
0x33: {  	p0 =	seq.s32 s10, $0x1;
	s10 =	sld [smem:$0x3FBA];
	_ =	sdelay $0x3  }
0x34: {  	[smem:$0x3FBA] =	sst s10  }
0x35: {  	s10 =	sld [smem:$0x3FB9];
	_ =	sdelay $0x3  }
0x36: {  	p1 =	seq.s32 s10, $0x1;
	s10 =	sld [smem:$0x3FBA];
	_ =	sdelay $0x3  }
0x37: {  	[smem:$0x3FBA] =	sst s10  }
0x38: {  	s10 =	sld [smem:$0x3FBB]  }
0x39: {  	_ = 	snop;
	(pc) =	sbr.ind lr, $3  }
0x3a: {  	_ = 	snop  }
0x3b: {  	_ = 	snop  }
0x3c: {  	p2 =	seq.s32 s10, $0x1;
	s10 =	sld [smem:$0x3FBA]  }
0x3d: {  	_ =	shalt  }
0x3e: {  	_ =	shalt  }
0x3f: {  	_ =	shalt  }
0x40: {  	_ =	shalt  }
0x41: {  	_ =	shalt  }
0x42: {  	_ =	shalt  }
0x43: {  	_ =	shalt  }
0x44: {  	_ =	shalt  }
0x45: {  	_ =	shalt  }
0x46: {  	_ =	shalt  }
0x47: {  	_ =	shalt  }
0x48: {  	_ =	shalt  }
0x49: {  	_ =	shalt  }
0x4a: {  	_ =	shalt  }
0x4b: {  	_ =	shalt  }
0x4c: {  	_ =	shalt  }
0x4d: {  	_ =	shalt  }
0x4e: {  	_ =	shalt  }
0x4f: {  	_ =	shalt  }
0x50: {  	_ =	shalt  }
0x51: {  	_ =	shalt  }
0x52: {  	_ =	shalt  }
0x53: {  	_ =	shalt  }
0x54: {  	_ =	shalt  }
0x55: {  	_ =	shalt  }
0x56: {  	_ =	shalt  }
0x57: {  	_ =	shalt  }
0x58: {  	_ =	shalt  }
0x59: {  	_ =	shalt  }
0x5a: {  	_ =	shalt  }
0x5b: {  	_ =	shalt  }
0x5c: {  	_ =	shalt  }
0x5d: {  	_ =	shalt  }
0x5e: {  	_ =	shalt  }
0x5f: {  	_ =	shalt  }
0x60: {  	_ =	shalt  }
0x61: {  	_ =	shalt  }
0x62: {  	_ =	shalt  }
0x63: {  	_ =	shalt  }
0x64: {  	_ =	shalt  }
0x65: {  	_ =	shalt  }
0x66: {  	_ =	shalt  }
0x67: {  	_ =	shalt  }
0x68: {  	_ =	shalt  }
0x69: {  	_ =	shalt  }
0x6a: {  	_ =	shalt  }
0x6b: {  	_ =	shalt  }
0x6c: {  	_ =	shalt  }
0x6d: {  	_ =	shalt  }
0x6e: {  	_ =	shalt  }
0x6f: {  	_ =	shalt  }
0x70: {  	_ =	shalt  }
0x71: {  	_ =	shalt  }
0x72: {  	_ =	shalt  }
0x73: {  	_ =	shalt  }
0x74: {  	_ =	shalt  }
0x75: {  	_ =	shalt  }
0x76: {  	_ =	shalt  }
0x77: {  	_ =	shalt  }
0x78: {  	_ =	shalt  }
0x79: {  	_ =	shalt  }
0x7a: {  	_ =	shalt  }
0x7b: {  	_ =	shalt  }
0x7c: {  	_ =	shalt  }
0x7d: {  	_ =	shalt  }
0x7e: {  	_ =	shalt  }
0x7f: {  	_ =	shalt  }
0x80: {  	_ =	shalt  }
0x81: {  	_ =	shalt  }
0x82: {  	_ =	shalt  }
0x83: {  	_ =	shalt  }
0x84: {  	_ =	shalt  }
0x85: {  	_ =	shalt  }
0x86: {  	_ =	shalt  }
0x87: {  	_ =	shalt  }
.Lfunc_end0:
.L_simem_size_0:
called_computation_lowered:
.L_overlay_start_0:
0x88: {  	s2 =	sld [smem:$0x3FD9]  }
0x89: {  	s3 =	sld [smem:$0x3FFE];
	_ =	sdelay $0x1  }
0x8a: {  	s1 =	srdreg.scid  }
0x8b: {  	s0 =	sand.u32 $0x1, s1  }
0x8c: {  	s17 =	sshll.u32 s0, $0xA;
	s2 =	sadd.s32 s3, s2  }
0x8d: {  	s2 =	sadd.s32 s2, s17  }
0x8e: {  	[smem:$0x3FC6] =	sst s2  }
0x8f: {  	_ = 	snop  }
0x90: {  	s2 =	sld [smem:$0x3FC8]  }
0x91: {  	s18 =	sld [smem:$0x3FD0];
	(tm) =	ssettm $0x1  }
0x92: {  	s4 =	sld [smem:$0x3FFB];
	_ =	sdelay $0x3  }
0x93: {  	_ =	strace s4  }
0x94: {  	s4 =	sld [smem:$0x3FFC];
	_ =	sdelay $0x3  }
0x95: {  	_ =	strace s4  }
0x96: {  	s4 =	sld [smem:$0x3FFD];
	_ =	sdelay $0x3  }
0x97: {  	_ =	strace s4  }
0x98: {  	_ =	strace $0x8FFFFFFF  }
0x99: {  	s19 =	sld [smem:$0x3FDB];
	_ =	sdelay $0x1  }
0x9a: {  	s5 =	simm.s32 $_scs_section_size  }
0x9b: {  	s6 =	simm.s32 $_size__tile_overlayer_lowered;
	s7 =	simm.s32 $_tile_overlayer_lowered  }
0x9c: {  	s22 =	simm.s32 $0x1BFF;
	s21 =	sshll.u32 s7, $0x1;
	s4 =	sadd.s32 s5, s19  }
0x9d: {  	s8 =	simm.s32 $0x0;
	s20 =	sshll.u32 s6, $0x1;
	s6 =	sadd.s32 s21, s4  }
0x9e: {  	[timem:s8], [sflag:s22] =	dma.local [hbm:s6], s20  }
0x9f: {  	_ =	swait.ge [sflag:s22], s20  }
0xa0: {  	s5 =	ssub.s32 $0x0, s20;
	[sflag:s22] =	ssyncset.done $0x0  }
0xa1: {  	[sflag:s22] =	ssyncadd.s32 s5;
	_ =	sdelay $0x1  }
0xa2: {  	s23 =	simm.s32 $0x1B8B  }
0xa3: {  	_ =	swait.ge [sflag:s23], $0x1  }
0xa4: {  	[sflag:s23] =	ssyncset.done $0x0  }
0xa5: {  	s25 =	simm.s32 $0x1B8E;
	s24 =	sld [smem:$0x3FFE];
	[sflag:s23] =	ssyncadd.s32 $0xFFFFFFFF  }
0xa6: {  	s26 =	simm.s32 $execute0_lowered;
	[smem:$0x3FD2] =	sst s25  }
0xa7: {  	s6 =	sshll.u32 s26, $0x1;
	_ =	strace $0x80000046;
	[dreg:$0x1] =	wrdreg $0xFFFFFFFF  }
0xa8: {  	s28 =	simm.s32 $_size_execute0_lowered;
	s4 =	sadd.s32 s4, s6;
	[dreg:$0x0] =	wrdreg $0x0  }
0xa9: {  	s6 =	sshll.u32 s28, $0x1;
	[dreg:$0x2] =	wrdreg s4  }
0xaa: {  	[dreg:$0x3] =	wrdreg s6  }
0xab: {  	[dreg:$0x4] =	wrdreg $0xC0  }
0xac: {  	_ =	task [dreg:s8], $0x5FFFF  }
0xad: {  	[dreg:$0x1] =	wrdreg $0xFFFFFFFF  }
0xae: {  	[dreg:$0x0] =	wrdreg $0x60  }
0xaf: {  	[dreg:$0x2] =	wrdreg s24  }
0xb0: {  	[dreg:$0x3] =	wrdreg s2  }
0xb1: {  	[dreg:$0x4] =	wrdreg s18  }
0xb2: {  	[dreg:$0x5] =	wrdreg $0x9  }
0xb3: {  	_ =	task.clear_ibuf [dreg:s8], $0x6FFFF;
	_ =	strace $0x90000046  }
0xb4: {  	s29 =	simm.s32 $0x9;
	_ =	strace $0x80000048  }
0xb5: {  	_ =	swait.ge [sflag:s29], $0x1  }
0xb6: {  	[sflag:s29] =	ssyncadd.s32 $0xFFFFFFFF  }
0xb7: {  	_ =	strace $0x90000048  }
0xb8: {  	_ =	sfence  }
0xb9: {  	s30 =	sld [smem:$0x0];
	_ =	sdelay $0x2  }
0xba: {  	s31 =	sshll.u32 s1, $0xD;
	s1 =	sshrl.u32 s1, $0x2  }
0xbb: {  	s3 =	sand.u32 $0x4000, s31;
	s1 =	sadd.s32 s1, s30  }
0xbc: {  	s0 =	sor.u32 s3, s0;
	s1 =	sshll.u32 s1, $0x11  }
0xbd: {  	s0 =	sor.u32 s1, s0  }
0xbe: {  	s0 =	sadd.s32 $0x8F2B, s0  }
0xbf: {  	[sflag:s0] =	ssyncadd.remote.s32 $0x1  }
0xc0: {  	_ =	sfence.sel $0xFFFF  }
0xc1: {  	[dreg:$0x0] =	wrdreg $0xFFFFFFFF;
	(pc) =	sbr.abs _section_cstart, $3  }
0xc2: {  	[dreg:$0x1] =	wrdreg $0xFFFFFFFF  }
0xc3: {  	_ =	task.clear_ibuf [dreg:s8], $0x2FFFF;
	_ =	strace $0x9FFFFFFF  }
0xc4: {  	(tm) =	ssettm $0x7FFFFFFF  }
0xc5: {  	_ =	shalt  }
tec
execute0_lowered:
.L_overlay_start_1:
0x0: {  	(tag) =	ssettag $0x1  }
0x1: {  	s4 =	rddreg [dreg:$0x0]  }
0x2: {  	s1 =	rddreg [dreg:$0x1]  }
0x3: {  	s6 =	rddreg [dreg:$0x2];
	s3 =	simm.s32 $0x0  }
0x4: {  	s5 =	srdreg.scid;
	s2 =	stileid.u32;
	s11 =	simm.s32 $0x400  }
0x5: {  	s12 =	simm.s32 $0x6000;
	s13 =	simm.s32 $0xA000;
	s14 =	simm.s32 $0x480  }
0x6: {  	s15 =	simm.s32 $0xE000;
	s16 =	simm.s32 $0x1;
	s17 =	simm.s32 $0x3  }
0x7: {  	s18 =	simm.s32 $0x4;
	s19 =	simm.s32 $0x5;
	s20 =	simm.s32 $0x6  }
0x8: {  	s21 =	simm.s32 $0x7;
	s22 =	simm.s32 $0x8;
	s23 =	simm.s32 $0x0  }
0x9: {  	[smem:$0x7FF] =	sst s3;
	s5 =	sand.u32 $0x1, s5;
	s10 =	smul.u32 $0x32000, s2  }
0xa: {  	s7 =	sshll.u32 s2, $0xB;
	_ =	strace $0x80000047;
	s31 =	smul.u32 $0x19000, s5  }
.Ltmp0:
0xb: {  	s8 =	sshll.u32 s5, $0xA;
	s9 =	ssub.s32 $0x2, s5;
	(pc) =	sbr.rel .LBB2_1-.Ltmp0, $4  }
0xc: {  	s7 =	sor.u32 s8, s7;
	s29 =	sshrl.u32 s9, $0x1;
	s6 =	sadd.s32 s10, s6  }
0xd: {  	s8 =	simm.s32 $0x80;
	s10 =	simm.s32 $0x48;
	s4 =	sadd.s32 s7, s4  }
0xe: {  	s30 =	ssub.s32 s9, s29;
	s6 =	sadd.s32 s31, s6;
	s7 =	simm.s32 $0x9  }
0xf: {  	s9 =	simm.s32 $0x2000;
	s4 =	sadd.s32 $0x400, s4;
	s5 =	smax.u32 s30, $0x1  }
.LBB2_4:
0x10: {  	_ =	swait.ge [sflag:s18], $0x2400  }
0x11: {  	[sflag:s18] =	ssyncset.done $0x0  }
0x12: {  	[sflag:s18] =	ssyncadd.s32 $0xFFFFDC00  }
0x13: {  	[hbm4b:s28+s3] =	stream.linear.scatter [tilespmem:s15], [sflag:$0x8], $0x2400, $0x38;
	[tilespmem:$0x12000] =	vst v63  }
0x14: {  	_ =	swait.ge [sflag:s19], $0x4000  }
0x15: {  	[sflag:s19] =	ssyncset.done $0x0  }
0x16: {  	[sflag:s19] =	ssyncadd.s32 $0xFFFFC000  }
0x17: {  	_ =	swait.ge [sflag:s20], $0x2400  }
0x18: {  	[sflag:s20] =	ssyncset.done $0x0  }
0x19: {  	s23 =	sadd.s32 $0x1, s23;
	[sflag:s20] =	ssyncadd.s32 $0xFFFFDC00  }
0x1a: {  	p0 =	sne.s32 s23, s5;
	_ =	swait.ge [sflag:s21], $0x4000  }
.Ltmp1:
0x1b: {  	[sflag:s21] =	ssyncset.done $0x0;
	(pc) =	sbr.rel @!p0 .LBB2_5-.Ltmp1, $4  }
0x1c: {  	[sflag:s21] =	ssyncadd.s32 $0xFFFFC000  }
0x1d: {  	_ =	swait.ge [sflag:s22], $0x2400  }
0x1e: {  	[sflag:s22] =	ssyncset.done $0x0  }
0x1f: {  	[sflag:s22] =	ssyncadd.s32 $0xFFFFDC00  }
.LBB2_1:
0x20: {  	[tilespmem:s3], [sflag:$0x9] =	stream.linear.gather [hbm4b:s4+s3], $0x2000, $0x38;
	[tilespmem:$0x12000] =	vst v63  }
0x21: {  	_ =	swait.ge [sflag:s7], $0x2000  }
0x22: {  	[sflag:s7] =	ssyncset.done $0x0  }
0x23: {  	[sflag:s7] =	ssyncadd.s32 $0xFFFFE000  }
0x24: {  	[tilespmem:s9], [sflag:$0x1] =	stream.indirect.gather [hbm4b:s1+s8], $0x80, s3, s8, $0xb8;
	[tilespmem:$0x12000] =	vst v63  }
0x25: {  	_ = 	snop  }
0x26: {  	[tilespmem:s12], [sflag:$0x2] =	stream.indirect.gather [hbm4b:s1+s10], $0x80, s11, s10, $0xb8;
	[tilespmem:$0x12000] =	vst v63  }
0x27: {  	_ = 	snop  }
0x28: {  	[tilespmem:s13], [sflag:$0x3] =	stream.indirect.gather [hbm4b:s1+s8], $0x80, s8, s8, $0xb8;
	[tilespmem:$0x12000] =	vst v63  }
0x29: {  	s24 =	simm.s32 $0x300;
	s25 =	simm.s32 $0x180;
	s26 =	simm.s32 $0x0  }
0x2a: {  	[tilespmem:s15], [sflag:$0x4] =	stream.indirect.gather [hbm4b:s1+s10], $0x80, s14, s10, $0xb8;
	[tilespmem:$0x12000] =	vst v63  }
.LBB2_2:
0x2b: {  	_ =	swait.ge [sflag:s16], $0x4000  }
0x2c: {  	p0 =	seq.s32 s26, $0x17700;
	[sflag:s16] =	ssyncset.done $0x0  }
0x2d: {  	s28 =	sadd.s32 s26, s6;
	s29 =	simm.s32 @p0 $0x2;
	[sflag:s16] =	ssyncadd.s32 $0xFFFFC000  }
0x2e: {  	[hbm4b:s28+s3] =	stream.linear.scatter [tilespmem:s9], [sflag:$0x5], $0x4000, $0x38;
	[tilespmem:$0x12000] =	vst v63  }
0x2f: {  	_ =	swait.ge @p0 [sflag:s29], $0x2400  }
0x30: {  	[sflag:s29] =	ssyncset.done @p0 $0x0  }
0x31: {  	[sflag:s29] =	ssyncadd.s32 @p0 $0xFFFFDC00;
	s29 =	sadd.s32 @p0 s26, s6  }
0x32: {  	s30 =	simm.s32 @p0 $0x0;
	s31 =	simm.s32 @p0 $0x6000;
	s29 =	sadd.s32 @p0 $0x800, s29  }
0x33: {  	[hbm4b:s29+s30] =	stream.linear.scatter @p0 [tilespmem:s31], [sflag:$0x6], $0x2400, $0x38;
	[tilespmem:$0x12000] =	vst v63  }
0x34: {  	s29 =	simm.s32 @!p0 $0x5  }
0x35: {  	_ =	swait.ge @!p0 [sflag:s29], $0x4000  }
0x36: {  	s30 =	sadd.s32 @!p0 $0xFFFFFF00, s24;
	s31 =	sadd.s32 @!p0 $0xFFFFFF80, s25;
	[sflag:s29] =	ssyncset.done @!p0 $0x0  }
0x37: {  	[sflag:s29] =	ssyncadd.s32 @!p0 $0xFFFFC000;
	s29 =	sand.u32 @!p0 $0x3800, s30;
	s30 =	sand.u32 @!p0 $0x300, s31  }
0x38: {  	s31 =	simm.s32 @!p0 $0x2000;
	s29 =	sor.u32 @!p0 s30, s29;
	s30 =	simm.s32 @!p0 $0x80  }
0x39: {  	[tilespmem:s31], [sflag:$0x1] =	stream.indirect.gather @!p0 [hbm4b:s1+s30], $0x80, s29, s30, $0xb8;
	[tilespmem:$0x12000] =	vst v63  }
0x3a: {  	s30 =	simm.s32 @!p0 $0x2  }
0x3b: {  	_ =	swait.ge @!p0 [sflag:s30], $0x2400  }
0x3c: {  	[sflag:s30] =	ssyncset.done @!p0 $0x0  }
0x3d: {  	[sflag:s30] =	ssyncadd.s32 @!p0 $0xFFFFDC00;
	s30 =	sadd.s32 @!p0 s26, s6  }
0x3e: {  	s0 =	simm.s32 @!p0 $0x6000;
	s31 =	simm.s32 @!p0 $0x0;
	s30 =	sadd.s32 @!p0 $0x800, s30  }
0x3f: {  	[hbm4b:s30+s31] =	stream.linear.scatter @!p0 [tilespmem:s0], [sflag:$0x6], $0x2400, $0x38;
	[tilespmem:$0x12000] =	vst v63  }
0x40: {  	s30 =	simm.s32 @!p0 $0x6  }
0x41: {  	_ =	swait.ge @!p0 [sflag:s30], $0x2400  }
0x42: {  	[sflag:s30] =	ssyncset.done @!p0 $0x0  }
0x43: {  	s29 =	sor.u32 @!p0 $0x400, s29;
	[sflag:s30] =	ssyncadd.s32 @!p0 $0xFFFFDC00;
	s30 =	simm.s32 @!p0 $0x48  }
0x44: {  	[tilespmem:s0], [sflag:$0x2] =	stream.indirect.gather @!p0 [hbm4b:s1+s30], $0x80, s29, s30, $0xb8;
	[tilespmem:$0x12000] =	vst v63  }
.Ltmp2:
0x45: {  	_ = 	snop;
	(pc) =	sbr.rel @p0 .LBB2_4-.Ltmp2, $4  }
0x46: {  	_ =	swait.ge [sflag:s17], $0x4000  }
0x47: {  	[sflag:s17] =	ssyncset.done $0x0  }
0x48: {  	s31 =	sadd.s32 $0xC80, s28;
	s28 =	sadd.s32 $0x1480, s28;
	[sflag:s17] =	ssyncadd.s32 $0xFFFFC000  }
0x49: {  	[hbm4b:s31+s3] =	stream.linear.scatter [tilespmem:s13], [sflag:$0x7], $0x4000, $0x38;
	[tilespmem:$0x12000] =	vst v63  }
0x4a: {  	_ =	swait.ge [sflag:s21], $0x4000  }
0x4b: {  	s0 =	sand.u32 $0x3800, s24;
	s29 =	sand.u32 $0x380, s25;
	[sflag:s21] =	ssyncset.done $0x0  }
0x4c: {  	s0 =	sor.u32 s29, s0;
	[sflag:s21] =	ssyncadd.s32 $0xFFFFC000  }
0x4d: {  	[tilespmem:s13], [sflag:$0x3] =	stream.indirect.gather [hbm4b:s1+s8], $0x80, s0, s8, $0xb8;
	[tilespmem:$0x12000] =	vst v63  }
0x4e: {  	_ =	swait.ge [sflag:s18], $0x2400  }
0x4f: {  	[sflag:s18] =	ssyncset.done $0x0  }
0x50: {  	[sflag:s18] =	ssyncadd.s32 $0xFFFFDC00  }
0x51: {  	[hbm4b:s28+s3] =	stream.linear.scatter [tilespmem:s15], [sflag:$0x8], $0x2400, $0x38;
	[tilespmem:$0x12000] =	vst v63  }
.Ltmp3:
0x52: {  	_ = 	snop;
	(pc) =	sbr.rel .LBB2_2-.Ltmp3, $4  }
0x53: {  	_ =	swait.ge [sflag:s22], $0x2400  }
0x54: {  	s24 =	sadd.s32 $0x200, s24;
	s25 =	sadd.s32 $0x100, s25;
	[sflag:s22] =	ssyncset.done $0x0  }
0x55: {  	s26 =	sadd.s32 $0x1900, s26;
	s0 =	sor.u32 $0x400, s0;
	[sflag:s22] =	ssyncadd.s32 $0xFFFFDC00  }
0x56: {  	[tilespmem:s15], [sflag:$0x4] =	stream.indirect.gather [hbm4b:s1+s10], $0x80, s0, s10, $0xb8;
	[tilespmem:$0x12000] =	vst v63  }
.LBB2_5:
0x57: {  	_ =	sfence.sel $0x180000  }
0x58: {  	[bflag:$0x0] =	sbarrier.arrive $0xFFFF  }
0x59: {  	_ =	strace $0x90000047  }
0x5a: {  	[bflag:$0x2] =	sbarrier.arrive $0xFFFF  }
0x5b: {  	p0 =	sne.s32 s2, $0x0;
	s0 =	rddreg [dreg:$0x3]  }
0x5c: {  	s0 =	sadd.s32 @!p0 $0x100000, s0  }
0x5d: {  	[sflag:s0] =	ssyncadd.tile.s32 @!p0 $0x1;
	_ =	shalt  }
.Lfunc_end2:
_tile_overlayer_lowered:
.L_overlay_start_2:
0x5e: {  	(tag) =	ssettag $0x2  }
0x5f: {  	s0 =	rddreg [dreg:$0x0];
	s2 =	stileid.u32  }
0x60: {  	s1 =	rddreg [dreg:$0x1];
	p0 =	sne.s32 s2, $0x0  }
0x61: {  	s3 =	rddreg [dreg:$0x2];
	[bflag:$0x3] =	sbarrier.arrive $0xFFFF;
	s2 =	simm.s32 @!p0 $0x1C09  }
0x62: {  	[timem:s3], [sflag:s2] =	dma.local @!p0 [hbm:s0], s1  }
0x63: {  	s0 =	simm.s32 @!p0 $0x9  }
0x64: {  	_ =	swait.ge @!p0 [sflag:s0], s1  }
0x65: {  	s1 =	ssub.s32 @!p0 $0x0, s1;
	[sflag:s0] =	ssyncset.done @!p0 $0x0  }
0x66: {  	[sflag:s0] =	ssyncadd.s32 @!p0 s1  }
0x67: {  	[bflag:$0x3] =	sbarrier.arrive $0xFFFF  }
0x68: {  	_ =	shalt  }

</sc_bundles>
